<compile_context>
chip_gen: v7x
topology: tpu7x:2x2x1
jax: 0.10.2.dev20260603
libtpu: 0.0.44.dev20260713+nightly
codegen_flags: <defaults>
</compile_context>

<pallas_src>
import functools

import jax
import jax.numpy as jnp
from jax import lax
from jax.experimental import pallas as pl
from jax.experimental.pallas import tpu as pltpu
from jax.experimental.pallas import tpu_sc as plsc

_B, _C, _D = 8, 1024, 4096
_STRIDE = 8
_K = _C // _STRIDE
_NC, _NS = 2, 16
_NW = _NC * _NS
_ROWS = (_B * _K) // _NW
_WPB = _K // _ROWS
_CH = 4
_NCH = _ROWS // _CH
_NSLOT = 7


def _copy_body(x_hbm, out_hbm, buf, sem_in, sem_out):
    wid = lax.axis_index("s") * _NC + lax.axis_index("c")
    b = wid // _WPB
    c_base = (wid % _WPB) * _ROWS

    def start_in(j):
        return pltpu.async_copy(
            x_hbm.at[b, pl.ds(c_base + j * _CH, _CH), 0, :],
            buf.at[j % _NSLOT], sem_in)

    def start_out(j):
        return pltpu.async_copy(
            buf.at[j % _NSLOT],
            out_hbm.at[b, pl.ds(c_base + j * _CH, _CH), :], sem_out)

    cin = [None] * _NCH
    cout = [None] * _NCH
    for j in range(min(_NSLOT - 1, _NCH)):
        cin[j] = start_in(j)
    for j in range(_NCH):
        nxt = j + _NSLOT - 1
        if nxt < _NCH:
            if j >= 1:
                cout[j - 1].wait()
            cin[nxt] = start_in(nxt)
        cin[j].wait()
        cout[j] = start_out(j)
    for j in range(max(0, _NCH - _NSLOT), _NCH):
        cout[j].wait()


@jax.jit
def _channel_select(x):
    xv = x.reshape(_B, _K, _STRIDE, _D)
    mesh = plsc.VectorSubcoreMesh(core_axis_name="c", subcore_axis_name="s")
    run = functools.partial(
        pl.kernel,
        mesh=mesh,
        out_type=jax.ShapeDtypeStruct((_B, _K, _D), jnp.float32),
        scratch_types=[
            pltpu.VMEM((_NSLOT, _CH, _D), jnp.float32),
            pltpu.SemaphoreType.DMA,
            pltpu.SemaphoreType.DMA,
        ],
    )(_copy_body)
    return run(xv)


def kernel(x):
    return _channel_select(x)

# --- scband reference (transcript-rebuilt; emitter-appended) ---
"""Pipeline reference for scband-channel-select-78443282694492 (READ-ONLY COPY).

The authoritative reference and input builder live on the scoring server;
editing this copy changes nothing except your own understanding.
"""

import jax, jax.numpy as jnp
import numpy as np

CHANNEL_INDICES = jnp.array([0, 8, 16, 24, 32, 40, 48, 56, 64, 72, 80, 88, 96, 104, 112, 120, 128, 136, 144, 152, 160, 168, 176, 184, 192, 200, 208, 216, 224, 232, 240, 248, 256, 264, 272, 280, 288, 296, 304, 312, 320, 328, 336, 344, 352, 360, 368, 376, 384, 392, 400, 408, 416, 424, 432, 440, 448, 456, 464, 472, 480, 488, 496, 504, 512, 520, 528, 536, 544, 552, 560, 568, 576, 584, 592, 600, 608, 616, 624, 632, 640, 648, 656, 664, 672, 680, 688, 696, 704, 712, 720, 728, 736, 744, 752, 760, 768, 776, 784, 792, 800, 808, 816, 824, 832, 840, 848, 856, 864, 872, 880, 888, 896, 904, 912, 920, 928, 936, 944, 952, 960, 968, 976, 984, 992, 1000, 1008, 1016], dtype=jnp.int32)

def setup_inputs(seed: int = 0) -> dict:
    key = jax.random.key(seed)
    x = jax.random.normal(key, (8, 1024, 4096), dtype=jnp.float32)
    return {"x": x}

def reference(x):
    # x[:, channel_indices, :] == gather along axis 1
    return jnp.take(x, CHANNEL_INDICES, axis=1)

if __name__ == "__main__":
    import jax
    _d = setup_inputs()
    print(jax.jit(kernel)(*tuple(_d.values())))

</pallas_src>

<mosaic_0001>
#map = affine_map<(d0, d1) -> (0, 0, 0, 0)>
#map1 = affine_map<(d0, d1) -> (0, 0, 0)>
module attributes {stable_mosaic.version = 14 : i64} {
  func.func @_copy_body(%arg0: i32, %arg1: i32, %arg2: memref<8x128x8x4096xf32, #tpu.memory_space<hbm>>, %arg3: memref<8x128x4096xf32, #tpu.memory_space<hbm>>, %arg4: memref<7x4x4096xf32, #tpu.memory_space<vmem>>, %arg5: memref<!tpu.dma_semaphore, #tpu.memory_space<semaphore_mem>>, %arg6: memref<!tpu.dma_semaphore, #tpu.memory_space<semaphore_mem>>) attributes {dimension_semantics = [#tpu.dimension_semantics<core_parallel>, #tpu.dimension_semantics<subcore_parallel>], iteration_bounds = array<i64: 2, 16>, scalar_prefetch = 0 : i64, scratch_operands = 3 : i64, tpu.core_type = #tpu.core_type<sc_vector_subcore>, window_params = [{transform_indices = #map}, {transform_indices = #map1}]} {
    %mul3A = arith.constant 2 : i32
    %mul3A_0 = arith.muli %arg1, %mul3A : i32
    %add3A = arith.addi %mul3A_0, %arg0 : i32
    %jit3A = arith.constant 4 : i32
    %div3A = arith.divsi %add3A, %jit3A : i32
    %sign3A = arith.constant 0 : i32
    %sign3A_1 = arith.cmpi sgt, %add3A, %sign3A : i32
    %sign3A_2 = arith.extui %sign3A_1 : i1 to i32
    %sign3A_3 = arith.constant 0 : i32
    %sign3A_4 = arith.cmpi slt, %add3A, %sign3A_3 : i32
    %sign3A_5 = arith.extui %sign3A_4 : i1 to i32
    %sign3A_6 = arith.subi %sign3A_2, %sign3A_5 : i32
    %sign3A_7 = arith.constant 0 : i32
    %sign3A_8 = arith.cmpi sgt, %jit3A, %sign3A_7 : i32
    %sign3A_9 = arith.extui %sign3A_8 : i1 to i32
    %sign3A_10 = arith.constant 0 : i32
    %sign3A_11 = arith.cmpi slt, %jit3A, %sign3A_10 : i32
    %sign3A_12 = arith.extui %sign3A_11 : i1 to i32
    %sign3A_13 = arith.subi %sign3A_9, %sign3A_12 : i32
    %ne3A = arith.cmpi ne, %sign3A_6, %sign3A_13 : i32
    %rem3A = arith.remsi %add3A, %jit3A : i32
    %ne3A_14 = arith.constant 0 : i32
    %ne3A_15 = arith.cmpi ne, %rem3A, %ne3A_14 : i32
    %and3A = arith.andi %ne3A, %ne3A_15 : i1
    %sub3A = arith.constant 1 : i32
    %sub3A_16 = arith.subi %div3A, %sub3A : i32
    %select_n3A = arith.select %and3A, %sub3A_16, %div3A : i32
    %jit3A_17 = arith.constant 4 : i32
    %eq3A = arith.constant 0 : i32
    %eq3A_18 = arith.cmpi eq, %jit3A_17, %eq3A : i32
    %jit3A_19 = arith.constant 1 : i32
    %select_n3A_20 = arith.select %eq3A_18, %jit3A_19, %jit3A_17 : i32
    %rem3A_21 = arith.remsi %add3A, %select_n3A_20 : i32
    %ne3A_22 = arith.constant 0 : i32
    %ne3A_23 = arith.cmpi ne, %rem3A_21, %ne3A_22 : i32
    %lt3A = arith.constant 0 : i32
    %lt3A_24 = arith.cmpi slt, %rem3A_21, %lt3A : i32
    %lt3A_25 = arith.constant 0 : i32
    %lt3A_26 = arith.cmpi slt, %select_n3A_20, %lt3A_25 : i32
    %ne3A_27 = arith.xori %lt3A_24, %lt3A_26 : i1
    %and3A_28 = arith.andi %ne3A_27, %ne3A_23 : i1
    %add3A_29 = arith.addi %rem3A_21, %select_n3A_20 : i32
    %select_n3A_30 = arith.select %and3A_28, %add3A_29, %rem3A_21 : i32
    %mul3A_31 = arith.constant 32 : i32
    %mul3A_32 = arith.muli %select_n3A_30, %mul3A_31 : i32
    %add3A_33 = arith.constant 0 : i32
    %add3A_34 = arith.addi %mul3A_32, %add3A_33 : i32
    %dma_start3A = arith.constant 0 : i32
    %dma_start3A_35 = arith.constant 0 : i32
    %dma_start3A_36 = arith.constant 0 : i32
    %dma_start3A_37 = arith.constant 0 : i32
    %dma_start3A_38 = tpu.memref_slice %arg4[%dma_start3A_35, %dma_start3A_36, %dma_start3A_37] : memref<7x4x4096xf32, #tpu.memory_space<vmem>> -> memref<1x4x4096xf32, #tpu.memory_space<vmem>>
    %dma_start3A_39 = tpu.memref_squeeze %dma_start3A_38 : memref<1x4x4096xf32, #tpu.memory_space<vmem>> -> memref<4x4096xf32, #tpu.memory_space<vmem>>
    %dma_start3A_40 = arith.constant 0 : i32
    %dma_start3A_41 = tpu.memref_slice %arg2[%select_n3A, %add3A_34, %dma_start3A, %dma_start3A_40] : memref<8x128x8x4096xf32, #tpu.memory_space<hbm>> -> memref<1x4x1x4096xf32, #tpu.memory_space<hbm>>
    %dma_start3A_42 = tpu.memref_squeeze %dma_start3A_41 : memref<1x4x1x4096xf32, #tpu.memory_space<hbm>> -> memref<4x4096xf32, #tpu.memory_space<hbm>>
    %dma_start3A_43 = arith.constant 0 : i32
    %dma_start3A_44 = arith.constant 0 : i32
    %dma_start3A_45 = tpu.memref_slice %arg4[%dma_start3A_35, %dma_start3A_43, %dma_start3A_44] : memref<7x4x4096xf32, #tpu.memory_space<vmem>> -> memref<1x4x4096xf32, #tpu.memory_space<vmem>>
    %dma_start3A_46 = tpu.memref_squeeze %dma_start3A_45 : memref<1x4x4096xf32, #tpu.memory_space<vmem>> -> memref<4x4096xf32, #tpu.memory_space<vmem>>
    %dma_start3A_47 = arith.constant 0 : i32
    %dma_start3A_48 = tpu.memref_slice %arg2[%select_n3A, %add3A_34, %dma_start3A, %dma_start3A_47] : memref<8x128x8x4096xf32, #tpu.memory_space<hbm>> -> memref<1x4x1x4096xf32, #tpu.memory_space<hbm>>
    %dma_start3A_49 = tpu.memref_squeeze %dma_start3A_48 : memref<1x4x1x4096xf32, #tpu.memory_space<hbm>> -> memref<4x4096xf32, #tpu.memory_space<hbm>>
    tpu.enqueue_dma source(%dma_start3A_49 : memref<4x4096xf32, #tpu.memory_space<hbm>>) target(%dma_start3A_46 : memref<4x4096xf32, #tpu.memory_space<vmem>>) target_semaphore(%arg5 : memref<!tpu.dma_semaphore, #tpu.memory_space<semaphore_mem>>)
    %add3A_50 = arith.constant 4 : i32
    %add3A_51 = arith.addi %mul3A_32, %add3A_50 : i32
    %dma_start3A_52 = arith.constant 0 : i32
    %dma_start3A_53 = arith.constant 1 : i32
    %dma_start3A_54 = arith.constant 0 : i32
    %dma_start3A_55 = arith.constant 0 : i32
    %dma_start3A_56 = tpu.memref_slice %arg4[%dma_start3A_53, %dma_start3A_54, %dma_start3A_55] : memref<7x4x4096xf32, #tpu.memory_space<vmem>> -> memref<1x4x4096xf32, #tpu.memory_space<vmem>>
    %dma_start3A_57 = tpu.memref_squeeze %dma_start3A_56 : memref<1x4x4096xf32, #tpu.memory_space<vmem>> -> memref<4x4096xf32, #tpu.memory_space<vmem>>
    %dma_start3A_58 = arith.constant 0 : i32
    %dma_start3A_59 = tpu.memref_slice %arg2[%select_n3A, %add3A_51, %dma_start3A_52, %dma_start3A_58] : memref<8x128x8x4096xf32, #tpu.memory_space<hbm>> -> memref<1x4x1x4096xf32, #tpu.memory_space<hbm>>
    %dma_start3A_60 = tpu.memref_squeeze %dma_start3A_59 : memref<1x4x1x4096xf32, #tpu.memory_space<hbm>> -> memref<4x4096xf32, #tpu.memory_space<hbm>>
    %dma_start3A_61 = arith.constant 0 : i32
    %dma_start3A_62 = arith.constant 0 : i32
    %dma_start3A_63 = tpu.memref_slice %arg4[%dma_start3A_53, %dma_start3A_61, %dma_start3A_62] : memref<7x4x4096xf32, #tpu.memory_space<vmem>> -> memref<1x4x4096xf32, #tpu.memory_space<vmem>>
    %dma_start3A_64 = tpu.memref_squeeze %dma_start3A_63 : memref<1x4x4096xf32, #tpu.memory_space<vmem>> -> memref<4x4096xf32, #tpu.memory_space<vmem>>
    %dma_start3A_65 = arith.constant 0 : i32
    %dma_start3A_66 = tpu.memref_slice %arg2[%select_n3A, %add3A_51, %dma_start3A_52, %dma_start3A_65] : memref<8x128x8x4096xf32, #tpu.memory_space<hbm>> -> memref<1x4x1x4096xf32, #tpu.memory_space<hbm>>
    %dma_start3A_67 = tpu.memref_squeeze %dma_start3A_66 : memref<1x4x1x4096xf32, #tpu.memory_space<hbm>> -> memref<4x4096xf32, #tpu.memory_space<hbm>>
    tpu.enqueue_dma source(%dma_start3A_67 : memref<4x4096xf32, #tpu.memory_space<hbm>>) target(%dma_start3A_64 : memref<4x4096xf32, #tpu.memory_space<vmem>>) target_semaphore(%arg5 : memref<!tpu.dma_semaphore, #tpu.memory_space<semaphore_mem>>)
    %add3A_68 = arith.constant 8 : i32
    %add3A_69 = arith.addi %mul3A_32, %add3A_68 : i32
    %dma_start3A_70 = arith.constant 0 : i32
    %dma_start3A_71 = arith.constant 2 : i32
    %dma_start3A_72 = arith.constant 0 : i32
    %dma_start3A_73 = arith.constant 0 : i32
    %dma_start3A_74 = tpu.memref_slice %arg4[%dma_start3A_71, %dma_start3A_72, %dma_start3A_73] : memref<7x4x4096xf32, #tpu.memory_space<vmem>> -> memref<1x4x4096xf32, #tpu.memory_space<vmem>>
    %dma_start3A_75 = tpu.memref_squeeze %dma_start3A_74 : memref<1x4x4096xf32, #tpu.memory_space<vmem>> -> memref<4x4096xf32, #tpu.memory_space<vmem>>
    %dma_start3A_76 = arith.constant 0 : i32
    %dma_start3A_77 = tpu.memref_slice %arg2[%select_n3A, %add3A_69, %dma_start3A_70, %dma_start3A_76] : memref<8x128x8x4096xf32, #tpu.memory_space<hbm>> -> memref<1x4x1x4096xf32, #tpu.memory_space<hbm>>
    %dma_start3A_78 = tpu.memref_squeeze %dma_start3A_77 : memref<1x4x1x4096xf32, #tpu.memory_space<hbm>> -> memref<4x4096xf32, #tpu.memory_space<hbm>>
    %dma_start3A_79 = arith.constant 0 : i32
    %dma_start3A_80 = arith.constant 0 : i32
    %dma_start3A_81 = tpu.memref_slice %arg4[%dma_start3A_71, %dma_start3A_79, %dma_start3A_80] : memref<7x4x4096xf32, #tpu.memory_space<vmem>> -> memref<1x4x4096xf32, #tpu.memory_space<vmem>>
    %dma_start3A_82 = tpu.memref_squeeze %dma_start3A_81 : memref<1x4x4096xf32, #tpu.memory_space<vmem>> -> memref<4x4096xf32, #tpu.memory_space<vmem>>
    %dma_start3A_83 = arith.constant 0 : i32
    %dma_start3A_84 = tpu.memref_slice %arg2[%select_n3A, %add3A_69, %dma_start3A_70, %dma_start3A_83] : memref<8x128x8x4096xf32, #tpu.memory_space<hbm>> -> memref<1x4x1x4096xf32, #tpu.memory_space<hbm>>
    %dma_start3A_85 = tpu.memref_squeeze %dma_start3A_84 : memref<1x4x1x4096xf32, #tpu.memory_space<hbm>> -> memref<4x4096xf32, #tpu.memory_space<hbm>>
    tpu.enqueue_dma source(%dma_start3A_85 : memref<4x4096xf32, #tpu.memory_space<hbm>>) target(%dma_start3A_82 : memref<4x4096xf32, #tpu.memory_space<vmem>>) target_semaphore(%arg5 : memref<!tpu.dma_semaphore, #tpu.memory_space<semaphore_mem>>)
    %add3A_86 = arith.constant 12 : i32
    %add3A_87 = arith.addi %mul3A_32, %add3A_86 : i32
    %dma_start3A_88 = arith.constant 0 : i32
    %dma_start3A_89 = arith.constant 3 : i32
    %dma_start3A_90 = arith.constant 0 : i32
    %dma_start3A_91 = arith.constant 0 : i32
    %dma_start3A_92 = tpu.memref_slice %arg4[%dma_start3A_89, %dma_start3A_90, %dma_start3A_91] : memref<7x4x4096xf32, #tpu.memory_space<vmem>> -> memref<1x4x4096xf32, #tpu.memory_space<vmem>>
    %dma_start3A_93 = tpu.memref_squeeze %dma_start3A_92 : memref<1x4x4096xf32, #tpu.memory_space<vmem>> -> memref<4x4096xf32, #tpu.memory_space<vmem>>
    %dma_start3A_94 = arith.constant 0 : i32
    %dma_start3A_95 = tpu.memref_slice %arg2[%select_n3A, %add3A_87, %dma_start3A_88, %dma_start3A_94] : memref<8x128x8x4096xf32, #tpu.memory_space<hbm>> -> memref<1x4x1x4096xf32, #tpu.memory_space<hbm>>
    %dma_start3A_96 = tpu.memref_squeeze %dma_start3A_95 : memref<1x4x1x4096xf32, #tpu.memory_space<hbm>> -> memref<4x4096xf32, #tpu.memory_space<hbm>>
    %dma_start3A_97 = arith.constant 0 : i32
    %dma_start3A_98 = arith.constant 0 : i32
    %dma_start3A_99 = tpu.memref_slice %arg4[%dma_start3A_89, %dma_start3A_97, %dma_start3A_98] : memref<7x4x4096xf32, #tpu.memory_space<vmem>> -> memref<1x4x4096xf32, #tpu.memory_space<vmem>>
    %dma_start3A_100 = tpu.memref_squeeze %dma_start3A_99 : memref<1x4x4096xf32, #tpu.memory_space<vmem>> -> memref<4x4096xf32, #tpu.memory_space<vmem>>
    %dma_start3A_101 = arith.constant 0 : i32
    %dma_start3A_102 = tpu.memref_slice %arg2[%select_n3A, %add3A_87, %dma_start3A_88, %dma_start3A_101] : memref<8x128x8x4096xf32, #tpu.memory_space<hbm>> -> memref<1x4x1x4096xf32, #tpu.memory_space<hbm>>
    %dma_start3A_103 = tpu.memref_squeeze %dma_start3A_102 : memref<1x4x1x4096xf32, #tpu.memory_space<hbm>> -> memref<4x4096xf32, #tpu.memory_space<hbm>>
    tpu.enqueue_dma source(%dma_start3A_103 : memref<4x4096xf32, #tpu.memory_space<hbm>>) target(%dma_start3A_100 : memref<4x4096xf32, #tpu.memory_space<vmem>>) target_semaphore(%arg5 : memref<!tpu.dma_semaphore, #tpu.memory_space<semaphore_mem>>)
    %add3A_104 = arith.constant 16 : i32
    %add3A_105 = arith.addi %mul3A_32, %add3A_104 : i32
    %dma_start3A_106 = arith.constant 0 : i32
    %dma_start3A_107 = arith.constant 4 : i32
    %dma_start3A_108 = arith.constant 0 : i32
    %dma_start3A_109 = arith.constant 0 : i32
    %dma_start3A_110 = tpu.memref_slice %arg4[%dma_start3A_107, %dma_start3A_108, %dma_start3A_109] : memref<7x4x4096xf32, #tpu.memory_space<vmem>> -> memref<1x4x4096xf32, #tpu.memory_space<vmem>>
    %dma_start3A_111 = tpu.memref_squeeze %dma_start3A_110 : memref<1x4x4096xf32, #tpu.memory_space<vmem>> -> memref<4x4096xf32, #tpu.memory_space<vmem>>
    %dma_start3A_112 = arith.constant 0 : i32
    %dma_start3A_113 = tpu.memref_slice %arg2[%select_n3A, %add3A_105, %dma_start3A_106, %dma_start3A_112] : memref<8x128x8x4096xf32, #tpu.memory_space<hbm>> -> memref<1x4x1x4096xf32, #tpu.memory_space<hbm>>
    %dma_start3A_114 = tpu.memref_squeeze %dma_start3A_113 : memref<1x4x1x4096xf32, #tpu.memory_space<hbm>> -> memref<4x4096xf32, #tpu.memory_space<hbm>>
    %dma_start3A_115 = arith.constant 0 : i32
    %dma_start3A_116 = arith.constant 0 : i32
    %dma_start3A_117 = tpu.memref_slice %arg4[%dma_start3A_107, %dma_start3A_115, %dma_start3A_116] : memref<7x4x4096xf32, #tpu.memory_space<vmem>> -> memref<1x4x4096xf32, #tpu.memory_space<vmem>>
    %dma_start3A_118 = tpu.memref_squeeze %dma_start3A_117 : memref<1x4x4096xf32, #tpu.memory_space<vmem>> -> memref<4x4096xf32, #tpu.memory_space<vmem>>
    %dma_start3A_119 = arith.constant 0 : i32
    %dma_start3A_120 = tpu.memref_slice %arg2[%select_n3A, %add3A_105, %dma_start3A_106, %dma_start3A_119] : memref<8x128x8x4096xf32, #tpu.memory_space<hbm>> -> memref<1x4x1x4096xf32, #tpu.memory_space<hbm>>
    %dma_start3A_121 = tpu.memref_squeeze %dma_start3A_120 : memref<1x4x1x4096xf32, #tpu.memory_space<hbm>> -> memref<4x4096xf32, #tpu.memory_space<hbm>>
    tpu.enqueue_dma source(%dma_start3A_121 : memref<4x4096xf32, #tpu.memory_space<hbm>>) target(%dma_start3A_118 : memref<4x4096xf32, #tpu.memory_space<vmem>>) target_semaphore(%arg5 : memref<!tpu.dma_semaphore, #tpu.memory_space<semaphore_mem>>)
    %add3A_122 = arith.constant 20 : i32
    %add3A_123 = arith.addi %mul3A_32, %add3A_122 : i32
    %dma_start3A_124 = arith.constant 0 : i32
    %dma_start3A_125 = arith.constant 5 : i32
    %dma_start3A_126 = arith.constant 0 : i32
    %dma_start3A_127 = arith.constant 0 : i32
    %dma_start3A_128 = tpu.memref_slice %arg4[%dma_start3A_125, %dma_start3A_126, %dma_start3A_127] : memref<7x4x4096xf32, #tpu.memory_space<vmem>> -> memref<1x4x4096xf32, #tpu.memory_space<vmem>>
    %dma_start3A_129 = tpu.memref_squeeze %dma_start3A_128 : memref<1x4x4096xf32, #tpu.memory_space<vmem>> -> memref<4x4096xf32, #tpu.memory_space<vmem>>
    %dma_start3A_130 = arith.constant 0 : i32
    %dma_start3A_131 = tpu.memref_slice %arg2[%select_n3A, %add3A_123, %dma_start3A_124, %dma_start3A_130] : memref<8x128x8x4096xf32, #tpu.memory_space<hbm>> -> memref<1x4x1x4096xf32, #tpu.memory_space<hbm>>
    %dma_start3A_132 = tpu.memref_squeeze %dma_start3A_131 : memref<1x4x1x4096xf32, #tpu.memory_space<hbm>> -> memref<4x4096xf32, #tpu.memory_space<hbm>>
    %dma_start3A_133 = arith.constant 0 : i32
    %dma_start3A_134 = arith.constant 0 : i32
    %dma_start3A_135 = tpu.memref_slice %arg4[%dma_start3A_125, %dma_start3A_133, %dma_start3A_134] : memref<7x4x4096xf32, #tpu.memory_space<vmem>> -> memref<1x4x4096xf32, #tpu.memory_space<vmem>>
    %dma_start3A_136 = tpu.memref_squeeze %dma_start3A_135 : memref<1x4x4096xf32, #tpu.memory_space<vmem>> -> memref<4x4096xf32, #tpu.memory_space<vmem>>
    %dma_start3A_137 = arith.constant 0 : i32
    %dma_start3A_138 = tpu.memref_slice %arg2[%select_n3A, %add3A_123, %dma_start3A_124, %dma_start3A_137] : memref<8x128x8x4096xf32, #tpu.memory_space<hbm>> -> memref<1x4x1x4096xf32, #tpu.memory_space<hbm>>
    %dma_start3A_139 = tpu.memref_squeeze %dma_start3A_138 : memref<1x4x1x4096xf32, #tpu.memory_space<hbm>> -> memref<4x4096xf32, #tpu.memory_space<hbm>>
    tpu.enqueue_dma source(%dma_start3A_139 : memref<4x4096xf32, #tpu.memory_space<hbm>>) target(%dma_start3A_136 : memref<4x4096xf32, #tpu.memory_space<vmem>>) target_semaphore(%arg5 : memref<!tpu.dma_semaphore, #tpu.memory_space<semaphore_mem>>)
    %add3A_140 = arith.constant 24 : i32
    %add3A_141 = arith.addi %mul3A_32, %add3A_140 : i32
    %dma_start3A_142 = arith.constant 0 : i32
    %dma_start3A_143 = arith.constant 6 : i32
    %dma_start3A_144 = arith.constant 0 : i32
    %dma_start3A_145 = arith.constant 0 : i32
    %dma_start3A_146 = tpu.memref_slice %arg4[%dma_start3A_143, %dma_start3A_144, %dma_start3A_145] : memref<7x4x4096xf32, #tpu.memory_space<vmem>> -> memref<1x4x4096xf32, #tpu.memory_space<vmem>>
    %dma_start3A_147 = tpu.memref_squeeze %dma_start3A_146 : memref<1x4x4096xf32, #tpu.memory_space<vmem>> -> memref<4x4096xf32, #tpu.memory_space<vmem>>
    %dma_start3A_148 = arith.constant 0 : i32
    %dma_start3A_149 = tpu.memref_slice %arg2[%select_n3A, %add3A_141, %dma_start3A_142, %dma_start3A_148] : memref<8x128x8x4096xf32, #tpu.memory_space<hbm>> -> memref<1x4x1x4096xf32, #tpu.memory_space<hbm>>
    %dma_start3A_150 = tpu.memref_squeeze %dma_start3A_149 : memref<1x4x1x4096xf32, #tpu.memory_space<hbm>> -> memref<4x4096xf32, #tpu.memory_space<hbm>>
    %dma_start3A_151 = arith.constant 0 : i32
    %dma_start3A_152 = arith.constant 0 : i32
    %dma_start3A_153 = tpu.memref_slice %arg4[%dma_start3A_143, %dma_start3A_151, %dma_start3A_152] : memref<7x4x4096xf32, #tpu.memory_space<vmem>> -> memref<1x4x4096xf32, #tpu.memory_space<vmem>>
    %dma_start3A_154 = tpu.memref_squeeze %dma_start3A_153 : memref<1x4x4096xf32, #tpu.memory_space<vmem>> -> memref<4x4096xf32, #tpu.memory_space<vmem>>
    %dma_start3A_155 = arith.constant 0 : i32
    %dma_start3A_156 = tpu.memref_slice %arg2[%select_n3A, %add3A_141, %dma_start3A_142, %dma_start3A_155] : memref<8x128x8x4096xf32, #tpu.memory_space<hbm>> -> memref<1x4x1x4096xf32, #tpu.memory_space<hbm>>
    %dma_start3A_157 = tpu.memref_squeeze %dma_start3A_156 : memref<1x4x1x4096xf32, #tpu.memory_space<hbm>> -> memref<4x4096xf32, #tpu.memory_space<hbm>>
    tpu.enqueue_dma source(%dma_start3A_157 : memref<4x4096xf32, #tpu.memory_space<hbm>>) target(%dma_start3A_154 : memref<4x4096xf32, #tpu.memory_space<vmem>>) target_semaphore(%arg5 : memref<!tpu.dma_semaphore, #tpu.memory_space<semaphore_mem>>)
    %dma_wait3A = arith.constant 0 : i32
    %dma_wait3A_158 = arith.constant 0 : i32
    %dma_wait3A_159 = arith.constant 0 : i32
    %dma_wait3A_160 = arith.constant 0 : i32
    %dma_wait3A_161 = tpu.memref_slice %arg4[%dma_wait3A_158, %dma_wait3A_159, %dma_wait3A_160] : memref<7x4x4096xf32, #tpu.memory_space<vmem>> -> memref<1x4x4096xf32, #tpu.memory_space<vmem>>
    %dma_wait3A_162 = tpu.memref_squeeze %dma_wait3A_161 : memref<1x4x4096xf32, #tpu.memory_space<vmem>> -> memref<4x4096xf32, #tpu.memory_space<vmem>>
    %dma_wait3A_163 = arith.constant 0 : i32
    %dma_wait3A_164 = tpu.memref_slice %arg2[%select_n3A, %add3A_34, %dma_wait3A, %dma_wait3A_163] : memref<8x128x8x4096xf32, #tpu.memory_space<hbm>> -> memref<1x4x1x4096xf32, #tpu.memory_space<hbm>>
    %dma_wait3A_165 = tpu.memref_squeeze %dma_wait3A_164 : memref<1x4x1x4096xf32, #tpu.memory_space<hbm>> -> memref<4x4096xf32, #tpu.memory_space<hbm>>
    %dma_wait3A_166 = arith.constant 0 : i32
    %dma_wait3A_167 = arith.constant 0 : i32
    %dma_wait3A_168 = tpu.memref_slice %arg4[%dma_wait3A_158, %dma_wait3A_166, %dma_wait3A_167] : memref<7x4x4096xf32, #tpu.memory_space<vmem>> -> memref<1x4x4096xf32, #tpu.memory_space<vmem>>
    %dma_wait3A_169 = tpu.memref_squeeze %dma_wait3A_168 : memref<1x4x4096xf32, #tpu.memory_space<vmem>> -> memref<4x4096xf32, #tpu.memory_space<vmem>>
    %dma_wait3A_170 = arith.constant 0 : i32
    %dma_wait3A_171 = tpu.memref_slice %arg2[%select_n3A, %add3A_34, %dma_wait3A, %dma_wait3A_170] : memref<8x128x8x4096xf32, #tpu.memory_space<hbm>> -> memref<1x4x1x4096xf32, #tpu.memory_space<hbm>>
    %dma_wait3A_172 = tpu.memref_squeeze %dma_wait3A_171 : memref<1x4x1x4096xf32, #tpu.memory_space<hbm>> -> memref<4x4096xf32, #tpu.memory_space<hbm>>
    tpu.wait_dma2 semaphore(%arg5 : memref<!tpu.dma_semaphore, #tpu.memory_space<semaphore_mem>>) src(%dma_wait3A_172 : memref<4x4096xf32, #tpu.memory_space<hbm>>) dst(%dma_wait3A_169 : memref<4x4096xf32, #tpu.memory_space<vmem>>)
    %add3A_173 = arith.constant 0 : i32
    %add3A_174 = arith.addi %mul3A_32, %add3A_173 : i32
    %dma_start3A_175 = arith.constant 0 : i32
    %dma_start3A_176 = arith.constant 0 : i32
    %dma_start3A_177 = arith.constant 0 : i32
    %dma_start3A_178 = tpu.memref_slice %arg4[%dma_start3A_175, %dma_start3A_176, %dma_start3A_177] : memref<7x4x4096xf32, #tpu.memory_space<vmem>> -> memref<1x4x4096xf32, #tpu.memory_space<vmem>>
    %dma_start3A_179 = tpu.memref_squeeze %dma_start3A_178 : memref<1x4x4096xf32, #tpu.memory_space<vmem>> -> memref<4x4096xf32, #tpu.memory_space<vmem>>
    %dma_start3A_180 = arith.constant 0 : i32
    %dma_start3A_181 = tpu.memref_slice %arg3[%select_n3A, %add3A_174, %dma_start3A_180] : memref<8x128x4096xf32, #tpu.memory_space<hbm>> -> memref<1x4x4096xf32, #tpu.memory_space<hbm>>
    %dma_start3A_182 = tpu.memref_squeeze %dma_start3A_181 : memref<1x4x4096xf32, #tpu.memory_space<hbm>> -> memref<4x4096xf32, #tpu.memory_space<hbm>>
    %dma_start3A_183 = arith.constant 0 : i32
    %dma_start3A_184 = tpu.memref_slice %arg3[%select_n3A, %add3A_174, %dma_start3A_183] : memref<8x128x4096xf32, #tpu.memory_space<hbm>> -> memref<1x4x4096xf32, #tpu.memory_space<hbm>>
    %dma_start3A_185 = tpu.memref_squeeze %dma_start3A_184 : memref<1x4x4096xf32, #tpu.memory_space<hbm>> -> memref<4x4096xf32, #tpu.memory_space<hbm>>
    %dma_start3A_186 = arith.constant 0 : i32
    %dma_start3A_187 = arith.constant 0 : i32
    %dma_start3A_188 = tpu.memref_slice %arg4[%dma_start3A_175, %dma_start3A_186, %dma_start3A_187] : memref<7x4x4096xf32, #tpu.memory_space<vmem>> -> memref<1x4x4096xf32, #tpu.memory_space<vmem>>
    %dma_start3A_189 = tpu.memref_squeeze %dma_start3A_188 : memref<1x4x4096xf32, #tpu.memory_space<vmem>> -> memref<4x4096xf32, #tpu.memory_space<vmem>>
    tpu.enqueue_dma source(%dma_start3A_189 : memref<4x4096xf32, #tpu.memory_space<vmem>>) target(%dma_start3A_185 : memref<4x4096xf32, #tpu.memory_space<hbm>>) target_semaphore(%arg6 : memref<!tpu.dma_semaphore, #tpu.memory_space<semaphore_mem>>)
    %dma_wait3A_190 = arith.constant 0 : i32
    %dma_wait3A_191 = arith.constant 0 : i32
    %dma_wait3A_192 = arith.constant 0 : i32
    %dma_wait3A_193 = tpu.memref_slice %arg4[%dma_wait3A_190, %dma_wait3A_191, %dma_wait3A_192] : memref<7x4x4096xf32, #tpu.memory_space<vmem>> -> memref<1x4x4096xf32, #tpu.memory_space<vmem>>
    %dma_wait3A_194 = tpu.memref_squeeze %dma_wait3A_193 : memref<1x4x4096xf32, #tpu.memory_space<vmem>> -> memref<4x4096xf32, #tpu.memory_space<vmem>>
    %dma_wait3A_195 = arith.constant 0 : i32
    %dma_wait3A_196 = tpu.memref_slice %arg3[%select_n3A, %add3A_174, %dma_wait3A_195] : memref<8x128x4096xf32, #tpu.memory_space<hbm>> -> memref<1x4x4096xf32, #tpu.memory_space<hbm>>
    %dma_wait3A_197 = tpu.memref_squeeze %dma_wait3A_196 : memref<1x4x4096xf32, #tpu.memory_space<hbm>> -> memref<4x4096xf32, #tpu.memory_space<hbm>>
    %dma_wait3A_198 = arith.constant 0 : i32
    %dma_wait3A_199 = tpu.memref_slice %arg3[%select_n3A, %add3A_174, %dma_wait3A_198] : memref<8x128x4096xf32, #tpu.memory_space<hbm>> -> memref<1x4x4096xf32, #tpu.memory_space<hbm>>
    %dma_wait3A_200 = tpu.memref_squeeze %dma_wait3A_199 : memref<1x4x4096xf32, #tpu.memory_space<hbm>> -> memref<4x4096xf32, #tpu.memory_space<hbm>>
    %dma_wait3A_201 = arith.constant 0 : i32
    %dma_wait3A_202 = arith.constant 0 : i32
    %dma_wait3A_203 = tpu.memref_slice %arg4[%dma_wait3A_190, %dma_wait3A_201, %dma_wait3A_202] : memref<7x4x4096xf32, #tpu.memory_space<vmem>> -> memref<1x4x4096xf32, #tpu.memory_space<vmem>>
    %dma_wait3A_204 = tpu.memref_squeeze %dma_wait3A_203 : memref<1x4x4096xf32, #tpu.memory_space<vmem>> -> memref<4x4096xf32, #tpu.memory_space<vmem>>
    tpu.wait_dma2 semaphore(%arg6 : memref<!tpu.dma_semaphore, #tpu.memory_space<semaphore_mem>>) src(%dma_wait3A_204 : memref<4x4096xf32, #tpu.memory_space<vmem>>) dst(%dma_wait3A_200 : memref<4x4096xf32, #tpu.memory_space<hbm>>)
    %add3A_205 = arith.constant 28 : i32
    %add3A_206 = arith.addi %mul3A_32, %add3A_205 : i32
    %dma_start3A_207 = arith.constant 0 : i32
    %dma_start3A_208 = arith.constant 0 : i32
    %dma_start3A_209 = arith.constant 0 : i32
    %dma_start3A_210 = arith.constant 0 : i32
    %dma_start3A_211 = tpu.memref_slice %arg4[%dma_start3A_208, %dma_start3A_209, %dma_start3A_210] : memref<7x4x4096xf32, #tpu.memory_space<vmem>> -> memref<1x4x4096xf32, #tpu.memory_space<vmem>>
    %dma_start3A_212 = tpu.memref_squeeze %dma_start3A_211 : memref<1x4x4096xf32, #tpu.memory_space<vmem>> -> memref<4x4096xf32, #tpu.memory_space<vmem>>
    %dma_start3A_213 = arith.constant 0 : i32
    %dma_start3A_214 = tpu.memref_slice %arg2[%select_n3A, %add3A_206, %dma_start3A_207, %dma_start3A_213] : memref<8x128x8x4096xf32, #tpu.memory_space<hbm>> -> memref<1x4x1x4096xf32, #tpu.memory_space<hbm>>
    %dma_start3A_215 = tpu.memref_squeeze %dma_start3A_214 : memref<1x4x1x4096xf32, #tpu.memory_space<hbm>> -> memref<4x4096xf32, #tpu.memory_space<hbm>>
    %dma_start3A_216 = arith.constant 0 : i32
    %dma_start3A_217 = arith.constant 0 : i32
    %dma_start3A_218 = tpu.memref_slice %arg4[%dma_start3A_208, %dma_start3A_216, %dma_start3A_217] : memref<7x4x4096xf32, #tpu.memory_space<vmem>> -> memref<1x4x4096xf32, #tpu.memory_space<vmem>>
    %dma_start3A_219 = tpu.memref_squeeze %dma_start3A_218 : memref<1x4x4096xf32, #tpu.memory_space<vmem>> -> memref<4x4096xf32, #tpu.memory_space<vmem>>
    %dma_start3A_220 = arith.constant 0 : i32
    %dma_start3A_221 = tpu.memref_slice %arg2[%select_n3A, %add3A_206, %dma_start3A_207, %dma_start3A_220] : memref<8x128x8x4096xf32, #tpu.memory_space<hbm>> -> memref<1x4x1x4096xf32, #tpu.memory_space<hbm>>
    %dma_start3A_222 = tpu.memref_squeeze %dma_start3A_221 : memref<1x4x1x4096xf32, #tpu.memory_space<hbm>> -> memref<4x4096xf32, #tpu.memory_space<hbm>>
    tpu.enqueue_dma source(%dma_start3A_222 : memref<4x4096xf32, #tpu.memory_space<hbm>>) target(%dma_start3A_219 : memref<4x4096xf32, #tpu.memory_space<vmem>>) target_semaphore(%arg5 : memref<!tpu.dma_semaphore, #tpu.memory_space<semaphore_mem>>)
    %dma_wait3A_223 = arith.constant 0 : i32
    %dma_wait3A_224 = arith.constant 1 : i32
    %dma_wait3A_225 = arith.constant 0 : i32
    %dma_wait3A_226 = arith.constant 0 : i32
    %dma_wait3A_227 = tpu.memref_slice %arg4[%dma_wait3A_224, %dma_wait3A_225, %dma_wait3A_226] : memref<7x4x4096xf32, #tpu.memory_space<vmem>> -> memref<1x4x4096xf32, #tpu.memory_space<vmem>>
    %dma_wait3A_228 = tpu.memref_squeeze %dma_wait3A_227 : memref<1x4x4096xf32, #tpu.memory_space<vmem>> -> memref<4x4096xf32, #tpu.memory_space<vmem>>
    %dma_wait3A_229 = arith.constant 0 : i32
    %dma_wait3A_230 = tpu.memref_slice %arg2[%select_n3A, %add3A_51, %dma_wait3A_223, %dma_wait3A_229] : memref<8x128x8x4096xf32, #tpu.memory_space<hbm>> -> memref<1x4x1x4096xf32, #tpu.memory_space<hbm>>
    %dma_wait3A_231 = tpu.memref_squeeze %dma_wait3A_230 : memref<1x4x1x4096xf32, #tpu.memory_space<hbm>> -> memref<4x4096xf32, #tpu.memory_space<hbm>>
    %dma_wait3A_232 = arith.constant 0 : i32
    %dma_wait3A_233 = arith.constant 0 : i32
    %dma_wait3A_234 = tpu.memref_slice %arg4[%dma_wait3A_224, %dma_wait3A_232, %dma_wait3A_233] : memref<7x4x4096xf32, #tpu.memory_space<vmem>> -> memref<1x4x4096xf32, #tpu.memory_space<vmem>>
    %dma_wait3A_235 = tpu.memref_squeeze %dma_wait3A_234 : memref<1x4x4096xf32, #tpu.memory_space<vmem>> -> memref<4x4096xf32, #tpu.memory_space<vmem>>
    %dma_wait3A_236 = arith.constant 0 : i32
    %dma_wait3A_237 = tpu.memref_slice %arg2[%select_n3A, %add3A_51, %dma_wait3A_223, %dma_wait3A_236] : memref<8x128x8x4096xf32, #tpu.memory_space<hbm>> -> memref<1x4x1x4096xf32, #tpu.memory_space<hbm>>
    %dma_wait3A_238 = tpu.memref_squeeze %dma_wait3A_237 : memref<1x4x1x4096xf32, #tpu.memory_space<hbm>> -> memref<4x4096xf32, #tpu.memory_space<hbm>>
    tpu.wait_dma2 semaphore(%arg5 : memref<!tpu.dma_semaphore, #tpu.memory_space<semaphore_mem>>) src(%dma_wait3A_238 : memref<4x4096xf32, #tpu.memory_space<hbm>>) dst(%dma_wait3A_235 : memref<4x4096xf32, #tpu.memory_space<vmem>>)
    %add3A_239 = arith.constant 4 : i32
    %add3A_240 = arith.addi %mul3A_32, %add3A_239 : i32
    %dma_start3A_241 = arith.constant 1 : i32
    %dma_start3A_242 = arith.constant 0 : i32
    %dma_start3A_243 = arith.constant 0 : i32
    %dma_start3A_244 = tpu.memref_slice %arg4[%dma_start3A_241, %dma_start3A_242, %dma_start3A_243] : memref<7x4x4096xf32, #tpu.memory_space<vmem>> -> memref<1x4x4096xf32, #tpu.memory_space<vmem>>
    %dma_start3A_245 = tpu.memref_squeeze %dma_start3A_244 : memref<1x4x4096xf32, #tpu.memory_space<vmem>> -> memref<4x4096xf32, #tpu.memory_space<vmem>>
    %dma_start3A_246 = arith.constant 0 : i32
    %dma_start3A_247 = tpu.memref_slice %arg3[%select_n3A, %add3A_240, %dma_start3A_246] : memref<8x128x4096xf32, #tpu.memory_space<hbm>> -> memref<1x4x4096xf32, #tpu.memory_space<hbm>>
    %dma_start3A_248 = tpu.memref_squeeze %dma_start3A_247 : memref<1x4x4096xf32, #tpu.memory_space<hbm>> -> memref<4x4096xf32, #tpu.memory_space<hbm>>
    %dma_start3A_249 = arith.constant 0 : i32
    %dma_start3A_250 = tpu.memref_slice %arg3[%select_n3A, %add3A_240, %dma_start3A_249] : memref<8x128x4096xf32, #tpu.memory_space<hbm>> -> memref<1x4x4096xf32, #tpu.memory_space<hbm>>
    %dma_start3A_251 = tpu.memref_squeeze %dma_start3A_250 : memref<1x4x4096xf32, #tpu.memory_space<hbm>> -> memref<4x4096xf32, #tpu.memory_space<hbm>>
    %dma_start3A_252 = arith.constant 0 : i32
    %dma_start3A_253 = arith.constant 0 : i32
    %dma_start3A_254 = tpu.memref_slice %arg4[%dma_start3A_241, %dma_start3A_252, %dma_start3A_253] : memref<7x4x4096xf32, #tpu.memory_space<vmem>> -> memref<1x4x4096xf32, #tpu.memory_space<vmem>>
    %dma_start3A_255 = tpu.memref_squeeze %dma_start3A_254 : memref<1x4x4096xf32, #tpu.memory_space<vmem>> -> memref<4x4096xf32, #tpu.memory_space<vmem>>
    tpu.enqueue_dma source(%dma_start3A_255 : memref<4x4096xf32, #tpu.memory_space<vmem>>) target(%dma_start3A_251 : memref<4x4096xf32, #tpu.memory_space<hbm>>) target_semaphore(%arg6 : memref<!tpu.dma_semaphore, #tpu.memory_space<semaphore_mem>>)
    %dma_wait3A_256 = arith.constant 0 : i32
    %dma_wait3A_257 = arith.constant 2 : i32
    %dma_wait3A_258 = arith.constant 0 : i32
    %dma_wait3A_259 = arith.constant 0 : i32
    %dma_wait3A_260 = tpu.memref_slice %arg4[%dma_wait3A_257, %dma_wait3A_258, %dma_wait3A_259] : memref<7x4x4096xf32, #tpu.memory_space<vmem>> -> memref<1x4x4096xf32, #tpu.memory_space<vmem>>
    %dma_wait3A_261 = tpu.memref_squeeze %dma_wait3A_260 : memref<1x4x4096xf32, #tpu.memory_space<vmem>> -> memref<4x4096xf32, #tpu.memory_space<vmem>>
    %dma_wait3A_262 = arith.constant 0 : i32
    %dma_wait3A_263 = tpu.memref_slice %arg2[%select_n3A, %add3A_69, %dma_wait3A_256, %dma_wait3A_262] : memref<8x128x8x4096xf32, #tpu.memory_space<hbm>> -> memref<1x4x1x4096xf32, #tpu.memory_space<hbm>>
    %dma_wait3A_264 = tpu.memref_squeeze %dma_wait3A_263 : memref<1x4x1x4096xf32, #tpu.memory_space<hbm>> -> memref<4x4096xf32, #tpu.memory_space<hbm>>
    %dma_wait3A_265 = arith.constant 0 : i32
    %dma_wait3A_266 = arith.constant 0 : i32
    %dma_wait3A_267 = tpu.memref_slice %arg4[%dma_wait3A_257, %dma_wait3A_265, %dma_wait3A_266] : memref<7x4x4096xf32, #tpu.memory_space<vmem>> -> memref<1x4x4096xf32, #tpu.memory_space<vmem>>
    %dma_wait3A_268 = tpu.memref_squeeze %dma_wait3A_267 : memref<1x4x4096xf32, #tpu.memory_space<vmem>> -> memref<4x4096xf32, #tpu.memory_space<vmem>>
    %dma_wait3A_269 = arith.constant 0 : i32
    %dma_wait3A_270 = tpu.memref_slice %arg2[%select_n3A, %add3A_69, %dma_wait3A_256, %dma_wait3A_269] : memref<8x128x8x4096xf32, #tpu.memory_space<hbm>> -> memref<1x4x1x4096xf32, #tpu.memory_space<hbm>>
    %dma_wait3A_271 = tpu.memref_squeeze %dma_wait3A_270 : memref<1x4x1x4096xf32, #tpu.memory_space<hbm>> -> memref<4x4096xf32, #tpu.memory_space<hbm>>
    tpu.wait_dma2 semaphore(%arg5 : memref<!tpu.dma_semaphore, #tpu.memory_space<semaphore_mem>>) src(%dma_wait3A_271 : memref<4x4096xf32, #tpu.memory_space<hbm>>) dst(%dma_wait3A_268 : memref<4x4096xf32, #tpu.memory_space<vmem>>)
    %add3A_272 = arith.constant 8 : i32
    %add3A_273 = arith.addi %mul3A_32, %add3A_272 : i32
    %dma_start3A_274 = arith.constant 2 : i32
    %dma_start3A_275 = arith.constant 0 : i32
    %dma_start3A_276 = arith.constant 0 : i32
    %dma_start3A_277 = tpu.memref_slice %arg4[%dma_start3A_274, %dma_start3A_275, %dma_start3A_276] : memref<7x4x4096xf32, #tpu.memory_space<vmem>> -> memref<1x4x4096xf32, #tpu.memory_space<vmem>>
    %dma_start3A_278 = tpu.memref_squeeze %dma_start3A_277 : memref<1x4x4096xf32, #tpu.memory_space<vmem>> -> memref<4x4096xf32, #tpu.memory_space<vmem>>
    %dma_start3A_279 = arith.constant 0 : i32
    %dma_start3A_280 = tpu.memref_slice %arg3[%select_n3A, %add3A_273, %dma_start3A_279] : memref<8x128x4096xf32, #tpu.memory_space<hbm>> -> memref<1x4x4096xf32, #tpu.memory_space<hbm>>
    %dma_start3A_281 = tpu.memref_squeeze %dma_start3A_280 : memref<1x4x4096xf32, #tpu.memory_space<hbm>> -> memref<4x4096xf32, #tpu.memory_space<hbm>>
    %dma_start3A_282 = arith.constant 0 : i32
    %dma_start3A_283 = tpu.memref_slice %arg3[%select_n3A, %add3A_273, %dma_start3A_282] : memref<8x128x4096xf32, #tpu.memory_space<hbm>> -> memref<1x4x4096xf32, #tpu.memory_space<hbm>>
    %dma_start3A_284 = tpu.memref_squeeze %dma_start3A_283 : memref<1x4x4096xf32, #tpu.memory_space<hbm>> -> memref<4x4096xf32, #tpu.memory_space<hbm>>
    %dma_start3A_285 = arith.constant 0 : i32
    %dma_start3A_286 = arith.constant 0 : i32
    %dma_start3A_287 = tpu.memref_slice %arg4[%dma_start3A_274, %dma_start3A_285, %dma_start3A_286] : memref<7x4x4096xf32, #tpu.memory_space<vmem>> -> memref<1x4x4096xf32, #tpu.memory_space<vmem>>
    %dma_start3A_288 = tpu.memref_squeeze %dma_start3A_287 : memref<1x4x4096xf32, #tpu.memory_space<vmem>> -> memref<4x4096xf32, #tpu.memory_space<vmem>>
    tpu.enqueue_dma source(%dma_start3A_288 : memref<4x4096xf32, #tpu.memory_space<vmem>>) target(%dma_start3A_284 : memref<4x4096xf32, #tpu.memory_space<hbm>>) target_semaphore(%arg6 : memref<!tpu.dma_semaphore, #tpu.memory_space<semaphore_mem>>)
    %dma_wait3A_289 = arith.constant 0 : i32
    %dma_wait3A_290 = arith.constant 3 : i32
    %dma_wait3A_291 = arith.constant 0 : i32
    %dma_wait3A_292 = arith.constant 0 : i32
    %dma_wait3A_293 = tpu.memref_slice %arg4[%dma_wait3A_290, %dma_wait3A_291, %dma_wait3A_292] : memref<7x4x4096xf32, #tpu.memory_space<vmem>> -> memref<1x4x4096xf32, #tpu.memory_space<vmem>>
    %dma_wait3A_294 = tpu.memref_squeeze %dma_wait3A_293 : memref<1x4x4096xf32, #tpu.memory_space<vmem>> -> memref<4x4096xf32, #tpu.memory_space<vmem>>
    %dma_wait3A_295 = arith.constant 0 : i32
    %dma_wait3A_296 = tpu.memref_slice %arg2[%select_n3A, %add3A_87, %dma_wait3A_289, %dma_wait3A_295] : memref<8x128x8x4096xf32, #tpu.memory_space<hbm>> -> memref<1x4x1x4096xf32, #tpu.memory_space<hbm>>
    %dma_wait3A_297 = tpu.memref_squeeze %dma_wait3A_296 : memref<1x4x1x4096xf32, #tpu.memory_space<hbm>> -> memref<4x4096xf32, #tpu.memory_space<hbm>>
    %dma_wait3A_298 = arith.constant 0 : i32
    %dma_wait3A_299 = arith.constant 0 : i32
    %dma_wait3A_300 = tpu.memref_slice %arg4[%dma_wait3A_290, %dma_wait3A_298, %dma_wait3A_299] : memref<7x4x4096xf32, #tpu.memory_space<vmem>> -> memref<1x4x4096xf32, #tpu.memory_space<vmem>>
    %dma_wait3A_301 = tpu.memref_squeeze %dma_wait3A_300 : memref<1x4x4096xf32, #tpu.memory_space<vmem>> -> memref<4x4096xf32, #tpu.memory_space<vmem>>
    %dma_wait3A_302 = arith.constant 0 : i32
    %dma_wait3A_303 = tpu.memref_slice %arg2[%select_n3A, %add3A_87, %dma_wait3A_289, %dma_wait3A_302] : memref<8x128x8x4096xf32, #tpu.memory_space<hbm>> -> memref<1x4x1x4096xf32, #tpu.memory_space<hbm>>
    %dma_wait3A_304 = tpu.memref_squeeze %dma_wait3A_303 : memref<1x4x1x4096xf32, #tpu.memory_space<hbm>> -> memref<4x4096xf32, #tpu.memory_space<hbm>>
    tpu.wait_dma2 semaphore(%arg5 : memref<!tpu.dma_semaphore, #tpu.memory_space<semaphore_mem>>) src(%dma_wait3A_304 : memref<4x4096xf32, #tpu.memory_space<hbm>>) dst(%dma_wait3A_301 : memref<4x4096xf32, #tpu.memory_space<vmem>>)
    %add3A_305 = arith.constant 12 : i32
    %add3A_306 = arith.addi %mul3A_32, %add3A_305 : i32
    %dma_start3A_307 = arith.constant 3 : i32
    %dma_start3A_308 = arith.constant 0 : i32
    %dma_start3A_309 = arith.constant 0 : i32
    %dma_start3A_310 = tpu.memref_slice %arg4[%dma_start3A_307, %dma_start3A_308, %dma_start3A_309] : memref<7x4x4096xf32, #tpu.memory_space<vmem>> -> memref<1x4x4096xf32, #tpu.memory_space<vmem>>
    %dma_start3A_311 = tpu.memref_squeeze %dma_start3A_310 : memref<1x4x4096xf32, #tpu.memory_space<vmem>> -> memref<4x4096xf32, #tpu.memory_space<vmem>>
    %dma_start3A_312 = arith.constant 0 : i32
    %dma_start3A_313 = tpu.memref_slice %arg3[%select_n3A, %add3A_306, %dma_start3A_312] : memref<8x128x4096xf32, #tpu.memory_space<hbm>> -> memref<1x4x4096xf32, #tpu.memory_space<hbm>>
    %dma_start3A_314 = tpu.memref_squeeze %dma_start3A_313 : memref<1x4x4096xf32, #tpu.memory_space<hbm>> -> memref<4x4096xf32, #tpu.memory_space<hbm>>
    %dma_start3A_315 = arith.constant 0 : i32
    %dma_start3A_316 = tpu.memref_slice %arg3[%select_n3A, %add3A_306, %dma_start3A_315] : memref<8x128x4096xf32, #tpu.memory_space<hbm>> -> memref<1x4x4096xf32, #tpu.memory_space<hbm>>
    %dma_start3A_317 = tpu.memref_squeeze %dma_start3A_316 : memref<1x4x4096xf32, #tpu.memory_space<hbm>> -> memref<4x4096xf32, #tpu.memory_space<hbm>>
    %dma_start3A_318 = arith.constant 0 : i32
    %dma_start3A_319 = arith.constant 0 : i32
    %dma_start3A_320 = tpu.memref_slice %arg4[%dma_start3A_307, %dma_start3A_318, %dma_start3A_319] : memref<7x4x4096xf32, #tpu.memory_space<vmem>> -> memref<1x4x4096xf32, #tpu.memory_space<vmem>>
    %dma_start3A_321 = tpu.memref_squeeze %dma_start3A_320 : memref<1x4x4096xf32, #tpu.memory_space<vmem>> -> memref<4x4096xf32, #tpu.memory_space<vmem>>
    tpu.enqueue_dma source(%dma_start3A_321 : memref<4x4096xf32, #tpu.memory_space<vmem>>) target(%dma_start3A_317 : memref<4x4096xf32, #tpu.memory_space<hbm>>) target_semaphore(%arg6 : memref<!tpu.dma_semaphore, #tpu.memory_space<semaphore_mem>>)
    %dma_wait3A_322 = arith.constant 0 : i32
    %dma_wait3A_323 = arith.constant 4 : i32
    %dma_wait3A_324 = arith.constant 0 : i32
    %dma_wait3A_325 = arith.constant 0 : i32
    %dma_wait3A_326 = tpu.memref_slice %arg4[%dma_wait3A_323, %dma_wait3A_324, %dma_wait3A_325] : memref<7x4x4096xf32, #tpu.memory_space<vmem>> -> memref<1x4x4096xf32, #tpu.memory_space<vmem>>
    %dma_wait3A_327 = tpu.memref_squeeze %dma_wait3A_326 : memref<1x4x4096xf32, #tpu.memory_space<vmem>> -> memref<4x4096xf32, #tpu.memory_space<vmem>>
    %dma_wait3A_328 = arith.constant 0 : i32
    %dma_wait3A_329 = tpu.memref_slice %arg2[%select_n3A, %add3A_105, %dma_wait3A_322, %dma_wait3A_328] : memref<8x128x8x4096xf32, #tpu.memory_space<hbm>> -> memref<1x4x1x4096xf32, #tpu.memory_space<hbm>>
    %dma_wait3A_330 = tpu.memref_squeeze %dma_wait3A_329 : memref<1x4x1x4096xf32, #tpu.memory_space<hbm>> -> memref<4x4096xf32, #tpu.memory_space<hbm>>
    %dma_wait3A_331 = arith.constant 0 : i32
    %dma_wait3A_332 = arith.constant 0 : i32
    %dma_wait3A_333 = tpu.memref_slice %arg4[%dma_wait3A_323, %dma_wait3A_331, %dma_wait3A_332] : memref<7x4x4096xf32, #tpu.memory_space<vmem>> -> memref<1x4x4096xf32, #tpu.memory_space<vmem>>
    %dma_wait3A_334 = tpu.memref_squeeze %dma_wait3A_333 : memref<1x4x4096xf32, #tpu.memory_space<vmem>> -> memref<4x4096xf32, #tpu.memory_space<vmem>>
    %dma_wait3A_335 = arith.constant 0 : i32
    %dma_wait3A_336 = tpu.memref_slice %arg2[%select_n3A, %add3A_105, %dma_wait3A_322, %dma_wait3A_335] : memref<8x128x8x4096xf32, #tpu.memory_space<hbm>> -> memref<1x4x1x4096xf32, #tpu.memory_space<hbm>>
    %dma_wait3A_337 = tpu.memref_squeeze %dma_wait3A_336 : memref<1x4x1x4096xf32, #tpu.memory_space<hbm>> -> memref<4x4096xf32, #tpu.memory_space<hbm>>
    tpu.wait_dma2 semaphore(%arg5 : memref<!tpu.dma_semaphore, #tpu.memory_space<semaphore_mem>>) src(%dma_wait3A_337 : memref<4x4096xf32, #tpu.memory_space<hbm>>) dst(%dma_wait3A_334 : memref<4x4096xf32, #tpu.memory_space<vmem>>)
    %add3A_338 = arith.constant 16 : i32
    %add3A_339 = arith.addi %mul3A_32, %add3A_338 : i32
    %dma_start3A_340 = arith.constant 4 : i32
    %dma_start3A_341 = arith.constant 0 : i32
    %dma_start3A_342 = arith.constant 0 : i32
    %dma_start3A_343 = tpu.memref_slice %arg4[%dma_start3A_340, %dma_start3A_341, %dma_start3A_342] : memref<7x4x4096xf32, #tpu.memory_space<vmem>> -> memref<1x4x4096xf32, #tpu.memory_space<vmem>>
    %dma_start3A_344 = tpu.memref_squeeze %dma_start3A_343 : memref<1x4x4096xf32, #tpu.memory_space<vmem>> -> memref<4x4096xf32, #tpu.memory_space<vmem>>
    %dma_start3A_345 = arith.constant 0 : i32
    %dma_start3A_346 = tpu.memref_slice %arg3[%select_n3A, %add3A_339, %dma_start3A_345] : memref<8x128x4096xf32, #tpu.memory_space<hbm>> -> memref<1x4x4096xf32, #tpu.memory_space<hbm>>
    %dma_start3A_347 = tpu.memref_squeeze %dma_start3A_346 : memref<1x4x4096xf32, #tpu.memory_space<hbm>> -> memref<4x4096xf32, #tpu.memory_space<hbm>>
    %dma_start3A_348 = arith.constant 0 : i32
    %dma_start3A_349 = tpu.memref_slice %arg3[%select_n3A, %add3A_339, %dma_start3A_348] : memref<8x128x4096xf32, #tpu.memory_space<hbm>> -> memref<1x4x4096xf32, #tpu.memory_space<hbm>>
    %dma_start3A_350 = tpu.memref_squeeze %dma_start3A_349 : memref<1x4x4096xf32, #tpu.memory_space<hbm>> -> memref<4x4096xf32, #tpu.memory_space<hbm>>
    %dma_start3A_351 = arith.constant 0 : i32
    %dma_start3A_352 = arith.constant 0 : i32
    %dma_start3A_353 = tpu.memref_slice %arg4[%dma_start3A_340, %dma_start3A_351, %dma_start3A_352] : memref<7x4x4096xf32, #tpu.memory_space<vmem>> -> memref<1x4x4096xf32, #tpu.memory_space<vmem>>
    %dma_start3A_354 = tpu.memref_squeeze %dma_start3A_353 : memref<1x4x4096xf32, #tpu.memory_space<vmem>> -> memref<4x4096xf32, #tpu.memory_space<vmem>>
    tpu.enqueue_dma source(%dma_start3A_354 : memref<4x4096xf32, #tpu.memory_space<vmem>>) target(%dma_start3A_350 : memref<4x4096xf32, #tpu.memory_space<hbm>>) target_semaphore(%arg6 : memref<!tpu.dma_semaphore, #tpu.memory_space<semaphore_mem>>)
    %dma_wait3A_355 = arith.constant 0 : i32
    %dma_wait3A_356 = arith.constant 5 : i32
    %dma_wait3A_357 = arith.constant 0 : i32
    %dma_wait3A_358 = arith.constant 0 : i32
    %dma_wait3A_359 = tpu.memref_slice %arg4[%dma_wait3A_356, %dma_wait3A_357, %dma_wait3A_358] : memref<7x4x4096xf32, #tpu.memory_space<vmem>> -> memref<1x4x4096xf32, #tpu.memory_space<vmem>>
    %dma_wait3A_360 = tpu.memref_squeeze %dma_wait3A_359 : memref<1x4x4096xf32, #tpu.memory_space<vmem>> -> memref<4x4096xf32, #tpu.memory_space<vmem>>
    %dma_wait3A_361 = arith.constant 0 : i32
    %dma_wait3A_362 = tpu.memref_slice %arg2[%select_n3A, %add3A_123, %dma_wait3A_355, %dma_wait3A_361] : memref<8x128x8x4096xf32, #tpu.memory_space<hbm>> -> memref<1x4x1x4096xf32, #tpu.memory_space<hbm>>
    %dma_wait3A_363 = tpu.memref_squeeze %dma_wait3A_362 : memref<1x4x1x4096xf32, #tpu.memory_space<hbm>> -> memref<4x4096xf32, #tpu.memory_space<hbm>>
    %dma_wait3A_364 = arith.constant 0 : i32
    %dma_wait3A_365 = arith.constant 0 : i32
    %dma_wait3A_366 = tpu.memref_slice %arg4[%dma_wait3A_356, %dma_wait3A_364, %dma_wait3A_365] : memref<7x4x4096xf32, #tpu.memory_space<vmem>> -> memref<1x4x4096xf32, #tpu.memory_space<vmem>>
    %dma_wait3A_367 = tpu.memref_squeeze %dma_wait3A_366 : memref<1x4x4096xf32, #tpu.memory_space<vmem>> -> memref<4x4096xf32, #tpu.memory_space<vmem>>
    %dma_wait3A_368 = arith.constant 0 : i32
    %dma_wait3A_369 = tpu.memref_slice %arg2[%select_n3A, %add3A_123, %dma_wait3A_355, %dma_wait3A_368] : memref<8x128x8x4096xf32, #tpu.memory_space<hbm>> -> memref<1x4x1x4096xf32, #tpu.memory_space<hbm>>
    %dma_wait3A_370 = tpu.memref_squeeze %dma_wait3A_369 : memref<1x4x1x4096xf32, #tpu.memory_space<hbm>> -> memref<4x4096xf32, #tpu.memory_space<hbm>>
    tpu.wait_dma2 semaphore(%arg5 : memref<!tpu.dma_semaphore, #tpu.memory_space<semaphore_mem>>) src(%dma_wait3A_370 : memref<4x4096xf32, #tpu.memory_space<hbm>>) dst(%dma_wait3A_367 : memref<4x4096xf32, #tpu.memory_space<vmem>>)
    %add3A_371 = arith.constant 20 : i32
    %add3A_372 = arith.addi %mul3A_32, %add3A_371 : i32
    %dma_start3A_373 = arith.constant 5 : i32
    %dma_start3A_374 = arith.constant 0 : i32
    %dma_start3A_375 = arith.constant 0 : i32
    %dma_start3A_376 = tpu.memref_slice %arg4[%dma_start3A_373, %dma_start3A_374, %dma_start3A_375] : memref<7x4x4096xf32, #tpu.memory_space<vmem>> -> memref<1x4x4096xf32, #tpu.memory_space<vmem>>
    %dma_start3A_377 = tpu.memref_squeeze %dma_start3A_376 : memref<1x4x4096xf32, #tpu.memory_space<vmem>> -> memref<4x4096xf32, #tpu.memory_space<vmem>>
    %dma_start3A_378 = arith.constant 0 : i32
    %dma_start3A_379 = tpu.memref_slice %arg3[%select_n3A, %add3A_372, %dma_start3A_378] : memref<8x128x4096xf32, #tpu.memory_space<hbm>> -> memref<1x4x4096xf32, #tpu.memory_space<hbm>>
    %dma_start3A_380 = tpu.memref_squeeze %dma_start3A_379 : memref<1x4x4096xf32, #tpu.memory_space<hbm>> -> memref<4x4096xf32, #tpu.memory_space<hbm>>
    %dma_start3A_381 = arith.constant 0 : i32
    %dma_start3A_382 = tpu.memref_slice %arg3[%select_n3A, %add3A_372, %dma_start3A_381] : memref<8x128x4096xf32, #tpu.memory_space<hbm>> -> memref<1x4x4096xf32, #tpu.memory_space<hbm>>
    %dma_start3A_383 = tpu.memref_squeeze %dma_start3A_382 : memref<1x4x4096xf32, #tpu.memory_space<hbm>> -> memref<4x4096xf32, #tpu.memory_space<hbm>>
    %dma_start3A_384 = arith.constant 0 : i32
    %dma_start3A_385 = arith.constant 0 : i32
    %dma_start3A_386 = tpu.memref_slice %arg4[%dma_start3A_373, %dma_start3A_384, %dma_start3A_385] : memref<7x4x4096xf32, #tpu.memory_space<vmem>> -> memref<1x4x4096xf32, #tpu.memory_space<vmem>>
    %dma_start3A_387 = tpu.memref_squeeze %dma_start3A_386 : memref<1x4x4096xf32, #tpu.memory_space<vmem>> -> memref<4x4096xf32, #tpu.memory_space<vmem>>
    tpu.enqueue_dma source(%dma_start3A_387 : memref<4x4096xf32, #tpu.memory_space<vmem>>) target(%dma_start3A_383 : memref<4x4096xf32, #tpu.memory_space<hbm>>) target_semaphore(%arg6 : memref<!tpu.dma_semaphore, #tpu.memory_space<semaphore_mem>>)
    %dma_wait3A_388 = arith.constant 0 : i32
    %dma_wait3A_389 = arith.constant 6 : i32
    %dma_wait3A_390 = arith.constant 0 : i32
    %dma_wait3A_391 = arith.constant 0 : i32
    %dma_wait3A_392 = tpu.memref_slice %arg4[%dma_wait3A_389, %dma_wait3A_390, %dma_wait3A_391] : memref<7x4x4096xf32, #tpu.memory_space<vmem>> -> memref<1x4x4096xf32, #tpu.memory_space<vmem>>
    %dma_wait3A_393 = tpu.memref_squeeze %dma_wait3A_392 : memref<1x4x4096xf32, #tpu.memory_space<vmem>> -> memref<4x4096xf32, #tpu.memory_space<vmem>>
    %dma_wait3A_394 = arith.constant 0 : i32
    %dma_wait3A_395 = tpu.memref_slice %arg2[%select_n3A, %add3A_141, %dma_wait3A_388, %dma_wait3A_394] : memref<8x128x8x4096xf32, #tpu.memory_space<hbm>> -> memref<1x4x1x4096xf32, #tpu.memory_space<hbm>>
    %dma_wait3A_396 = tpu.memref_squeeze %dma_wait3A_395 : memref<1x4x1x4096xf32, #tpu.memory_space<hbm>> -> memref<4x4096xf32, #tpu.memory_space<hbm>>
    %dma_wait3A_397 = arith.constant 0 : i32
    %dma_wait3A_398 = arith.constant 0 : i32
    %dma_wait3A_399 = tpu.memref_slice %arg4[%dma_wait3A_389, %dma_wait3A_397, %dma_wait3A_398] : memref<7x4x4096xf32, #tpu.memory_space<vmem>> -> memref<1x4x4096xf32, #tpu.memory_space<vmem>>
    %dma_wait3A_400 = tpu.memref_squeeze %dma_wait3A_399 : memref<1x4x4096xf32, #tpu.memory_space<vmem>> -> memref<4x4096xf32, #tpu.memory_space<vmem>>
    %dma_wait3A_401 = arith.constant 0 : i32
    %dma_wait3A_402 = tpu.memref_slice %arg2[%select_n3A, %add3A_141, %dma_wait3A_388, %dma_wait3A_401] : memref<8x128x8x4096xf32, #tpu.memory_space<hbm>> -> memref<1x4x1x4096xf32, #tpu.memory_space<hbm>>
    %dma_wait3A_403 = tpu.memref_squeeze %dma_wait3A_402 : memref<1x4x1x4096xf32, #tpu.memory_space<hbm>> -> memref<4x4096xf32, #tpu.memory_space<hbm>>
    tpu.wait_dma2 semaphore(%arg5 : memref<!tpu.dma_semaphore, #tpu.memory_space<semaphore_mem>>) src(%dma_wait3A_403 : memref<4x4096xf32, #tpu.memory_space<hbm>>) dst(%dma_wait3A_400 : memref<4x4096xf32, #tpu.memory_space<vmem>>)
    %add3A_404 = arith.constant 24 : i32
    %add3A_405 = arith.addi %mul3A_32, %add3A_404 : i32
    %dma_start3A_406 = arith.constant 6 : i32
    %dma_start3A_407 = arith.constant 0 : i32
    %dma_start3A_408 = arith.constant 0 : i32
    %dma_start3A_409 = tpu.memref_slice %arg4[%dma_start3A_406, %dma_start3A_407, %dma_start3A_408] : memref<7x4x4096xf32, #tpu.memory_space<vmem>> -> memref<1x4x4096xf32, #tpu.memory_space<vmem>>
    %dma_start3A_410 = tpu.memref_squeeze %dma_start3A_409 : memref<1x4x4096xf32, #tpu.memory_space<vmem>> -> memref<4x4096xf32, #tpu.memory_space<vmem>>
    %dma_start3A_411 = arith.constant 0 : i32
    %dma_start3A_412 = tpu.memref_slice %arg3[%select_n3A, %add3A_405, %dma_start3A_411] : memref<8x128x4096xf32, #tpu.memory_space<hbm>> -> memref<1x4x4096xf32, #tpu.memory_space<hbm>>
    %dma_start3A_413 = tpu.memref_squeeze %dma_start3A_412 : memref<1x4x4096xf32, #tpu.memory_space<hbm>> -> memref<4x4096xf32, #tpu.memory_space<hbm>>
    %dma_start3A_414 = arith.constant 0 : i32
    %dma_start3A_415 = tpu.memref_slice %arg3[%select_n3A, %add3A_405, %dma_start3A_414] : memref<8x128x4096xf32, #tpu.memory_space<hbm>> -> memref<1x4x4096xf32, #tpu.memory_space<hbm>>
    %dma_start3A_416 = tpu.memref_squeeze %dma_start3A_415 : memref<1x4x4096xf32, #tpu.memory_space<hbm>> -> memref<4x4096xf32, #tpu.memory_space<hbm>>
    %dma_start3A_417 = arith.constant 0 : i32
    %dma_start3A_418 = arith.constant 0 : i32
    %dma_start3A_419 = tpu.memref_slice %arg4[%dma_start3A_406, %dma_start3A_417, %dma_start3A_418] : memref<7x4x4096xf32, #tpu.memory_space<vmem>> -> memref<1x4x4096xf32, #tpu.memory_space<vmem>>
    %dma_start3A_420 = tpu.memref_squeeze %dma_start3A_419 : memref<1x4x4096xf32, #tpu.memory_space<vmem>> -> memref<4x4096xf32, #tpu.memory_space<vmem>>
    tpu.enqueue_dma source(%dma_start3A_420 : memref<4x4096xf32, #tpu.memory_space<vmem>>) target(%dma_start3A_416 : memref<4x4096xf32, #tpu.memory_space<hbm>>) target_semaphore(%arg6 : memref<!tpu.dma_semaphore, #tpu.memory_space<semaphore_mem>>)
    %dma_wait3A_421 = arith.constant 0 : i32
    %dma_wait3A_422 = arith.constant 0 : i32
    %dma_wait3A_423 = arith.constant 0 : i32
    %dma_wait3A_424 = arith.constant 0 : i32
    %dma_wait3A_425 = tpu.memref_slice %arg4[%dma_wait3A_422, %dma_wait3A_423, %dma_wait3A_424] : memref<7x4x4096xf32, #tpu.memory_space<vmem>> -> memref<1x4x4096xf32, #tpu.memory_space<vmem>>
    %dma_wait3A_426 = tpu.memref_squeeze %dma_wait3A_425 : memref<1x4x4096xf32, #tpu.memory_space<vmem>> -> memref<4x4096xf32, #tpu.memory_space<vmem>>
    %dma_wait3A_427 = arith.constant 0 : i32
    %dma_wait3A_428 = tpu.memref_slice %arg2[%select_n3A, %add3A_206, %dma_wait3A_421, %dma_wait3A_427] : memref<8x128x8x4096xf32, #tpu.memory_space<hbm>> -> memref<1x4x1x4096xf32, #tpu.memory_space<hbm>>
    %dma_wait3A_429 = tpu.memref_squeeze %dma_wait3A_428 : memref<1x4x1x4096xf32, #tpu.memory_space<hbm>> -> memref<4x4096xf32, #tpu.memory_space<hbm>>
    %dma_wait3A_430 = arith.constant 0 : i32
    %dma_wait3A_431 = arith.constant 0 : i32
    %dma_wait3A_432 = tpu.memref_slice %arg4[%dma_wait3A_422, %dma_wait3A_430, %dma_wait3A_431] : memref<7x4x4096xf32, #tpu.memory_space<vmem>> -> memref<1x4x4096xf32, #tpu.memory_space<vmem>>
    %dma_wait3A_433 = tpu.memref_squeeze %dma_wait3A_432 : memref<1x4x4096xf32, #tpu.memory_space<vmem>> -> memref<4x4096xf32, #tpu.memory_space<vmem>>
    %dma_wait3A_434 = arith.constant 0 : i32
    %dma_wait3A_435 = tpu.memref_slice %arg2[%select_n3A, %add3A_206, %dma_wait3A_421, %dma_wait3A_434] : memref<8x128x8x4096xf32, #tpu.memory_space<hbm>> -> memref<1x4x1x4096xf32, #tpu.memory_space<hbm>>
    %dma_wait3A_436 = tpu.memref_squeeze %dma_wait3A_435 : memref<1x4x1x4096xf32, #tpu.memory_space<hbm>> -> memref<4x4096xf32, #tpu.memory_space<hbm>>
    tpu.wait_dma2 semaphore(%arg5 : memref<!tpu.dma_semaphore, #tpu.memory_space<semaphore_mem>>) src(%dma_wait3A_436 : memref<4x4096xf32, #tpu.memory_space<hbm>>) dst(%dma_wait3A_433 : memref<4x4096xf32, #tpu.memory_space<vmem>>)
    %add3A_437 = arith.constant 28 : i32
    %add3A_438 = arith.addi %mul3A_32, %add3A_437 : i32
    %dma_start3A_439 = arith.constant 0 : i32
    %dma_start3A_440 = arith.constant 0 : i32
    %dma_start3A_441 = arith.constant 0 : i32
    %dma_start3A_442 = tpu.memref_slice %arg4[%dma_start3A_439, %dma_start3A_440, %dma_start3A_441] : memref<7x4x4096xf32, #tpu.memory_space<vmem>> -> memref<1x4x4096xf32, #tpu.memory_space<vmem>>
    %dma_start3A_443 = tpu.memref_squeeze %dma_start3A_442 : memref<1x4x4096xf32, #tpu.memory_space<vmem>> -> memref<4x4096xf32, #tpu.memory_space<vmem>>
    %dma_start3A_444 = arith.constant 0 : i32
    %dma_start3A_445 = tpu.memref_slice %arg3[%select_n3A, %add3A_438, %dma_start3A_444] : memref<8x128x4096xf32, #tpu.memory_space<hbm>> -> memref<1x4x4096xf32, #tpu.memory_space<hbm>>
    %dma_start3A_446 = tpu.memref_squeeze %dma_start3A_445 : memref<1x4x4096xf32, #tpu.memory_space<hbm>> -> memref<4x4096xf32, #tpu.memory_space<hbm>>
    %dma_start3A_447 = arith.constant 0 : i32
    %dma_start3A_448 = tpu.memref_slice %arg3[%select_n3A, %add3A_438, %dma_start3A_447] : memref<8x128x4096xf32, #tpu.memory_space<hbm>> -> memref<1x4x4096xf32, #tpu.memory_space<hbm>>
    %dma_start3A_449 = tpu.memref_squeeze %dma_start3A_448 : memref<1x4x4096xf32, #tpu.memory_space<hbm>> -> memref<4x4096xf32, #tpu.memory_space<hbm>>
    %dma_start3A_450 = arith.constant 0 : i32
    %dma_start3A_451 = arith.constant 0 : i32
    %dma_start3A_452 = tpu.memref_slice %arg4[%dma_start3A_439, %dma_start3A_450, %dma_start3A_451] : memref<7x4x4096xf32, #tpu.memory_space<vmem>> -> memref<1x4x4096xf32, #tpu.memory_space<vmem>>
    %dma_start3A_453 = tpu.memref_squeeze %dma_start3A_452 : memref<1x4x4096xf32, #tpu.memory_space<vmem>> -> memref<4x4096xf32, #tpu.memory_space<vmem>>
    tpu.enqueue_dma source(%dma_start3A_453 : memref<4x4096xf32, #tpu.memory_space<vmem>>) target(%dma_start3A_449 : memref<4x4096xf32, #tpu.memory_space<hbm>>) target_semaphore(%arg6 : memref<!tpu.dma_semaphore, #tpu.memory_space<semaphore_mem>>)
    %dma_wait3A_454 = arith.constant 1 : i32
    %dma_wait3A_455 = arith.constant 0 : i32
    %dma_wait3A_456 = arith.constant 0 : i32
    %dma_wait3A_457 = tpu.memref_slice %arg4[%dma_wait3A_454, %dma_wait3A_455, %dma_wait3A_456] : memref<7x4x4096xf32, #tpu.memory_space<vmem>> -> memref<1x4x4096xf32, #tpu.memory_space<vmem>>
    %dma_wait3A_458 = tpu.memref_squeeze %dma_wait3A_457 : memref<1x4x4096xf32, #tpu.memory_space<vmem>> -> memref<4x4096xf32, #tpu.memory_space<vmem>>
    %dma_wait3A_459 = arith.constant 0 : i32
    %dma_wait3A_460 = tpu.memref_slice %arg3[%select_n3A, %add3A_240, %dma_wait3A_459] : memref<8x128x4096xf32, #tpu.memory_space<hbm>> -> memref<1x4x4096xf32, #tpu.memory_space<hbm>>
    %dma_wait3A_461 = tpu.memref_squeeze %dma_wait3A_460 : memref<1x4x4096xf32, #tpu.memory_space<hbm>> -> memref<4x4096xf32, #tpu.memory_space<hbm>>
    %dma_wait3A_462 = arith.constant 0 : i32
    %dma_wait3A_463 = tpu.memref_slice %arg3[%select_n3A, %add3A_240, %dma_wait3A_462] : memref<8x128x4096xf32, #tpu.memory_space<hbm>> -> memref<1x4x4096xf32, #tpu.memory_space<hbm>>
    %dma_wait3A_464 = tpu.memref_squeeze %dma_wait3A_463 : memref<1x4x4096xf32, #tpu.memory_space<hbm>> -> memref<4x4096xf32, #tpu.memory_space<hbm>>
    %dma_wait3A_465 = arith.constant 0 : i32
    %dma_wait3A_466 = arith.constant 0 : i32
    %dma_wait3A_467 = tpu.memref_slice %arg4[%dma_wait3A_454, %dma_wait3A_465, %dma_wait3A_466] : memref<7x4x4096xf32, #tpu.memory_space<vmem>> -> memref<1x4x4096xf32, #tpu.memory_space<vmem>>
    %dma_wait3A_468 = tpu.memref_squeeze %dma_wait3A_467 : memref<1x4x4096xf32, #tpu.memory_space<vmem>> -> memref<4x4096xf32, #tpu.memory_space<vmem>>
    tpu.wait_dma2 semaphore(%arg6 : memref<!tpu.dma_semaphore, #tpu.memory_space<semaphore_mem>>) src(%dma_wait3A_468 : memref<4x4096xf32, #tpu.memory_space<vmem>>) dst(%dma_wait3A_464 : memref<4x4096xf32, #tpu.memory_space<hbm>>)
    %dma_wait3A_469 = arith.constant 2 : i32
    %dma_wait3A_470 = arith.constant 0 : i32
    %dma_wait3A_471 = arith.constant 0 : i32
    %dma_wait3A_472 = tpu.memref_slice %arg4[%dma_wait3A_469, %dma_wait3A_470, %dma_wait3A_471] : memref<7x4x4096xf32, #tpu.memory_space<vmem>> -> memref<1x4x4096xf32, #tpu.memory_space<vmem>>
    %dma_wait3A_473 = tpu.memref_squeeze %dma_wait3A_472 : memref<1x4x4096xf32, #tpu.memory_space<vmem>> -> memref<4x4096xf32, #tpu.memory_space<vmem>>
    %dma_wait3A_474 = arith.constant 0 : i32
    %dma_wait3A_475 = tpu.memref_slice %arg3[%select_n3A, %add3A_273, %dma_wait3A_474] : memref<8x128x4096xf32, #tpu.memory_space<hbm>> -> memref<1x4x4096xf32, #tpu.memory_space<hbm>>
    %dma_wait3A_476 = tpu.memref_squeeze %dma_wait3A_475 : memref<1x4x4096xf32, #tpu.memory_space<hbm>> -> memref<4x4096xf32, #tpu.memory_space<hbm>>
    %dma_wait3A_477 = arith.constant 0 : i32
    %dma_wait3A_478 = tpu.memref_slice %arg3[%select_n3A, %add3A_273, %dma_wait3A_477] : memref<8x128x4096xf32, #tpu.memory_space<hbm>> -> memref<1x4x4096xf32, #tpu.memory_space<hbm>>
    %dma_wait3A_479 = tpu.memref_squeeze %dma_wait3A_478 : memref<1x4x4096xf32, #tpu.memory_space<hbm>> -> memref<4x4096xf32, #tpu.memory_space<hbm>>
    %dma_wait3A_480 = arith.constant 0 : i32
    %dma_wait3A_481 = arith.constant 0 : i32
    %dma_wait3A_482 = tpu.memref_slice %arg4[%dma_wait3A_469, %dma_wait3A_480, %dma_wait3A_481] : memref<7x4x4096xf32, #tpu.memory_space<vmem>> -> memref<1x4x4096xf32, #tpu.memory_space<vmem>>
    %dma_wait3A_483 = tpu.memref_squeeze %dma_wait3A_482 : memref<1x4x4096xf32, #tpu.memory_space<vmem>> -> memref<4x4096xf32, #tpu.memory_space<vmem>>
    tpu.wait_dma2 semaphore(%arg6 : memref<!tpu.dma_semaphore, #tpu.memory_space<semaphore_mem>>) src(%dma_wait3A_483 : memref<4x4096xf32, #tpu.memory_space<vmem>>) dst(%dma_wait3A_479 : memref<4x4096xf32, #tpu.memory_space<hbm>>)
    %dma_wait3A_484 = arith.constant 3 : i32
    %dma_wait3A_485 = arith.constant 0 : i32
    %dma_wait3A_486 = arith.constant 0 : i32
    %dma_wait3A_487 = tpu.memref_slice %arg4[%dma_wait3A_484, %dma_wait3A_485, %dma_wait3A_486] : memref<7x4x4096xf32, #tpu.memory_space<vmem>> -> memref<1x4x4096xf32, #tpu.memory_space<vmem>>
    %dma_wait3A_488 = tpu.memref_squeeze %dma_wait3A_487 : memref<1x4x4096xf32, #tpu.memory_space<vmem>> -> memref<4x4096xf32, #tpu.memory_space<vmem>>
    %dma_wait3A_489 = arith.constant 0 : i32
    %dma_wait3A_490 = tpu.memref_slice %arg3[%select_n3A, %add3A_306, %dma_wait3A_489] : memref<8x128x4096xf32, #tpu.memory_space<hbm>> -> memref<1x4x4096xf32, #tpu.memory_space<hbm>>
    %dma_wait3A_491 = tpu.memref_squeeze %dma_wait3A_490 : memref<1x4x4096xf32, #tpu.memory_space<hbm>> -> memref<4x4096xf32, #tpu.memory_space<hbm>>
    %dma_wait3A_492 = arith.constant 0 : i32
    %dma_wait3A_493 = tpu.memref_slice %arg3[%select_n3A, %add3A_306, %dma_wait3A_492] : memref<8x128x4096xf32, #tpu.memory_space<hbm>> -> memref<1x4x4096xf32, #tpu.memory_space<hbm>>
    %dma_wait3A_494 = tpu.memref_squeeze %dma_wait3A_493 : memref<1x4x4096xf32, #tpu.memory_space<hbm>> -> memref<4x4096xf32, #tpu.memory_space<hbm>>
    %dma_wait3A_495 = arith.constant 0 : i32
    %dma_wait3A_496 = arith.constant 0 : i32
    %dma_wait3A_497 = tpu.memref_slice %arg4[%dma_wait3A_484, %dma_wait3A_495, %dma_wait3A_496] : memref<7x4x4096xf32, #tpu.memory_space<vmem>> -> memref<1x4x4096xf32, #tpu.memory_space<vmem>>
    %dma_wait3A_498 = tpu.memref_squeeze %dma_wait3A_497 : memref<1x4x4096xf32, #tpu.memory_space<vmem>> -> memref<4x4096xf32, #tpu.memory_space<vmem>>
    tpu.wait_dma2 semaphore(%arg6 : memref<!tpu.dma_semaphore, #tpu.memory_space<semaphore_mem>>) src(%dma_wait3A_498 : memref<4x4096xf32, #tpu.memory_space<vmem>>) dst(%dma_wait3A_494 : memref<4x4096xf32, #tpu.memory_space<hbm>>)
    %dma_wait3A_499 = arith.constant 4 : i32
    %dma_wait3A_500 = arith.constant 0 : i32
    %dma_wait3A_501 = arith.constant 0 : i32
    %dma_wait3A_502 = tpu.memref_slice %arg4[%dma_wait3A_499, %dma_wait3A_500, %dma_wait3A_501] : memref<7x4x4096xf32, #tpu.memory_space<vmem>> -> memref<1x4x4096xf32, #tpu.memory_space<vmem>>
    %dma_wait3A_503 = tpu.memref_squeeze %dma_wait3A_502 : memref<1x4x4096xf32, #tpu.memory_space<vmem>> -> memref<4x4096xf32, #tpu.memory_space<vmem>>
    %dma_wait3A_504 = arith.constant 0 : i32
    %dma_wait3A_505 = tpu.memref_slice %arg3[%select_n3A, %add3A_339, %dma_wait3A_504] : memref<8x128x4096xf32, #tpu.memory_space<hbm>> -> memref<1x4x4096xf32, #tpu.memory_space<hbm>>
    %dma_wait3A_506 = tpu.memref_squeeze %dma_wait3A_505 : memref<1x4x4096xf32, #tpu.memory_space<hbm>> -> memref<4x4096xf32, #tpu.memory_space<hbm>>
    %dma_wait3A_507 = arith.constant 0 : i32
    %dma_wait3A_508 = tpu.memref_slice %arg3[%select_n3A, %add3A_339, %dma_wait3A_507] : memref<8x128x4096xf32, #tpu.memory_space<hbm>> -> memref<1x4x4096xf32, #tpu.memory_space<hbm>>
    %dma_wait3A_509 = tpu.memref_squeeze %dma_wait3A_508 : memref<1x4x4096xf32, #tpu.memory_space<hbm>> -> memref<4x4096xf32, #tpu.memory_space<hbm>>
    %dma_wait3A_510 = arith.constant 0 : i32
    %dma_wait3A_511 = arith.constant 0 : i32
    %dma_wait3A_512 = tpu.memref_slice %arg4[%dma_wait3A_499, %dma_wait3A_510, %dma_wait3A_511] : memref<7x4x4096xf32, #tpu.memory_space<vmem>> -> memref<1x4x4096xf32, #tpu.memory_space<vmem>>
    %dma_wait3A_513 = tpu.memref_squeeze %dma_wait3A_512 : memref<1x4x4096xf32, #tpu.memory_space<vmem>> -> memref<4x4096xf32, #tpu.memory_space<vmem>>
    tpu.wait_dma2 semaphore(%arg6 : memref<!tpu.dma_semaphore, #tpu.memory_space<semaphore_mem>>) src(%dma_wait3A_513 : memref<4x4096xf32, #tpu.memory_space<vmem>>) dst(%dma_wait3A_509 : memref<4x4096xf32, #tpu.memory_space<hbm>>)
    %dma_wait3A_514 = arith.constant 5 : i32
    %dma_wait3A_515 = arith.constant 0 : i32
    %dma_wait3A_516 = arith.constant 0 : i32
    %dma_wait3A_517 = tpu.memref_slice %arg4[%dma_wait3A_514, %dma_wait3A_515, %dma_wait3A_516] : memref<7x4x4096xf32, #tpu.memory_space<vmem>> -> memref<1x4x4096xf32, #tpu.memory_space<vmem>>
    %dma_wait3A_518 = tpu.memref_squeeze %dma_wait3A_517 : memref<1x4x4096xf32, #tpu.memory_space<vmem>> -> memref<4x4096xf32, #tpu.memory_space<vmem>>
    %dma_wait3A_519 = arith.constant 0 : i32
    %dma_wait3A_520 = tpu.memref_slice %arg3[%select_n3A, %add3A_372, %dma_wait3A_519] : memref<8x128x4096xf32, #tpu.memory_space<hbm>> -> memref<1x4x4096xf32, #tpu.memory_space<hbm>>
    %dma_wait3A_521 = tpu.memref_squeeze %dma_wait3A_520 : memref<1x4x4096xf32, #tpu.memory_space<hbm>> -> memref<4x4096xf32, #tpu.memory_space<hbm>>
    %dma_wait3A_522 = arith.constant 0 : i32
    %dma_wait3A_523 = tpu.memref_slice %arg3[%select_n3A, %add3A_372, %dma_wait3A_522] : memref<8x128x4096xf32, #tpu.memory_space<hbm>> -> memref<1x4x4096xf32, #tpu.memory_space<hbm>>
    %dma_wait3A_524 = tpu.memref_squeeze %dma_wait3A_523 : memref<1x4x4096xf32, #tpu.memory_space<hbm>> -> memref<4x4096xf32, #tpu.memory_space<hbm>>
    %dma_wait3A_525 = arith.constant 0 : i32
    %dma_wait3A_526 = arith.constant 0 : i32
    %dma_wait3A_527 = tpu.memref_slice %arg4[%dma_wait3A_514, %dma_wait3A_525, %dma_wait3A_526] : memref<7x4x4096xf32, #tpu.memory_space<vmem>> -> memref<1x4x4096xf32, #tpu.memory_space<vmem>>
    %dma_wait3A_528 = tpu.memref_squeeze %dma_wait3A_527 : memref<1x4x4096xf32, #tpu.memory_space<vmem>> -> memref<4x4096xf32, #tpu.memory_space<vmem>>
    tpu.wait_dma2 semaphore(%arg6 : memref<!tpu.dma_semaphore, #tpu.memory_space<semaphore_mem>>) src(%dma_wait3A_528 : memref<4x4096xf32, #tpu.memory_space<vmem>>) dst(%dma_wait3A_524 : memref<4x4096xf32, #tpu.memory_space<hbm>>)
    %dma_wait3A_529 = arith.constant 6 : i32
    %dma_wait3A_530 = arith.constant 0 : i32
    %dma_wait3A_531 = arith.constant 0 : i32
    %dma_wait3A_532 = tpu.memref_slice %arg4[%dma_wait3A_529, %dma_wait3A_530, %dma_wait3A_531] : memref<7x4x4096xf32, #tpu.memory_space<vmem>> -> memref<1x4x4096xf32, #tpu.memory_space<vmem>>
    %dma_wait3A_533 = tpu.memref_squeeze %dma_wait3A_532 : memref<1x4x4096xf32, #tpu.memory_space<vmem>> -> memref<4x4096xf32, #tpu.memory_space<vmem>>
    %dma_wait3A_534 = arith.constant 0 : i32
    %dma_wait3A_535 = tpu.memref_slice %arg3[%select_n3A, %add3A_405, %dma_wait3A_534] : memref<8x128x4096xf32, #tpu.memory_space<hbm>> -> memref<1x4x4096xf32, #tpu.memory_space<hbm>>
    %dma_wait3A_536 = tpu.memref_squeeze %dma_wait3A_535 : memref<1x4x4096xf32, #tpu.memory_space<hbm>> -> memref<4x4096xf32, #tpu.memory_space<hbm>>
    %dma_wait3A_537 = arith.constant 0 : i32
    %dma_wait3A_538 = tpu.memref_slice %arg3[%select_n3A, %add3A_405, %dma_wait3A_537] : memref<8x128x4096xf32, #tpu.memory_space<hbm>> -> memref<1x4x4096xf32, #tpu.memory_space<hbm>>
    %dma_wait3A_539 = tpu.memref_squeeze %dma_wait3A_538 : memref<1x4x4096xf32, #tpu.memory_space<hbm>> -> memref<4x4096xf32, #tpu.memory_space<hbm>>
    %dma_wait3A_540 = arith.constant 0 : i32
    %dma_wait3A_541 = arith.constant 0 : i32
    %dma_wait3A_542 = tpu.memref_slice %arg4[%dma_wait3A_529, %dma_wait3A_540, %dma_wait3A_541] : memref<7x4x4096xf32, #tpu.memory_space<vmem>> -> memref<1x4x4096xf32, #tpu.memory_space<vmem>>
    %dma_wait3A_543 = tpu.memref_squeeze %dma_wait3A_542 : memref<1x4x4096xf32, #tpu.memory_space<vmem>> -> memref<4x4096xf32, #tpu.memory_space<vmem>>
    tpu.wait_dma2 semaphore(%arg6 : memref<!tpu.dma_semaphore, #tpu.memory_space<semaphore_mem>>) src(%dma_wait3A_543 : memref<4x4096xf32, #tpu.memory_space<vmem>>) dst(%dma_wait3A_539 : memref<4x4096xf32, #tpu.memory_space<hbm>>)
    %dma_wait3A_544 = arith.constant 0 : i32
    %dma_wait3A_545 = arith.constant 0 : i32
    %dma_wait3A_546 = arith.constant 0 : i32
    %dma_wait3A_547 = tpu.memref_slice %arg4[%dma_wait3A_544, %dma_wait3A_545, %dma_wait3A_546] : memref<7x4x4096xf32, #tpu.memory_space<vmem>> -> memref<1x4x4096xf32, #tpu.memory_space<vmem>>
    %dma_wait3A_548 = tpu.memref_squeeze %dma_wait3A_547 : memref<1x4x4096xf32, #tpu.memory_space<vmem>> -> memref<4x4096xf32, #tpu.memory_space<vmem>>
    %dma_wait3A_549 = arith.constant 0 : i32
    %dma_wait3A_550 = tpu.memref_slice %arg3[%select_n3A, %add3A_438, %dma_wait3A_549] : memref<8x128x4096xf32, #tpu.memory_space<hbm>> -> memref<1x4x4096xf32, #tpu.memory_space<hbm>>
    %dma_wait3A_551 = tpu.memref_squeeze %dma_wait3A_550 : memref<1x4x4096xf32, #tpu.memory_space<hbm>> -> memref<4x4096xf32, #tpu.memory_space<hbm>>
    %dma_wait3A_552 = arith.constant 0 : i32
    %dma_wait3A_553 = tpu.memref_slice %arg3[%select_n3A, %add3A_438, %dma_wait3A_552] : memref<8x128x4096xf32, #tpu.memory_space<hbm>> -> memref<1x4x4096xf32, #tpu.memory_space<hbm>>
    %dma_wait3A_554 = tpu.memref_squeeze %dma_wait3A_553 : memref<1x4x4096xf32, #tpu.memory_space<hbm>> -> memref<4x4096xf32, #tpu.memory_space<hbm>>
    %dma_wait3A_555 = arith.constant 0 : i32
    %dma_wait3A_556 = arith.constant 0 : i32
    %dma_wait3A_557 = tpu.memref_slice %arg4[%dma_wait3A_544, %dma_wait3A_555, %dma_wait3A_556] : memref<7x4x4096xf32, #tpu.memory_space<vmem>> -> memref<1x4x4096xf32, #tpu.memory_space<vmem>>
    %dma_wait3A_558 = tpu.memref_squeeze %dma_wait3A_557 : memref<1x4x4096xf32, #tpu.memory_space<vmem>> -> memref<4x4096xf32, #tpu.memory_space<vmem>>
    tpu.wait_dma2 semaphore(%arg6 : memref<!tpu.dma_semaphore, #tpu.memory_space<semaphore_mem>>) src(%dma_wait3A_558 : memref<4x4096xf32, #tpu.memory_space<vmem>>) dst(%dma_wait3A_554 : memref<4x4096xf32, #tpu.memory_space<hbm>>)
    return
  }
}

</mosaic_0001>

<sc_bundles>
// kernel: _channel_select.3.cloned.1.call-start
scs
__scs_entry_jumppad:
0x0: {  	(pc) =	sbr.rel $0x88, $3  }
0x1: {  	(tag) =	ssettag $0x0;
	lr =	simm.s32 $0x1  }
0x2: {  	[smem:$0x3FA0] =	sst lr;
	_ =	strace $0xD0000000  }
0x3: {  	_ = 	snop  }
0x4: {  	_ = 	snop  }
0x5: {  	_ = 	snop  }
0x6: {  	_ = 	snop  }
0x7: {  	_ = 	snop  }
__scs_overlays_trampoline_lowered:
0x8: {  	[smem:$0x3FAF] =	sst s0  }
0x9: {  	[smem:$0x3FB0] =	sst s1  }
0xa: {  	[smem:$0x3FB1] =	sst s2  }
0xb: {  	[smem:$0x3FB2] =	sst s3  }
0xc: {  	[smem:$0x3FB3] =	sst s4  }
0xd: {  	[smem:$0x3FB4] =	sst s5  }
0xe: {  	[smem:$0x3FB5] =	sst s6  }
0xf: {  	[smem:$0x3FB6] =	sst s7  }
0x10: {  	[smem:$0x3FB7] =	sst s8  }
0x11: {  	[smem:$0x3FB8] =	sst s9;
	s0 =	simm.s32 @!p0 $0x0  }
0x12: {  	s1 =	sld [smem:$0x3F9E];
	s0 =	simm.s32 @p0 $0x1  }
0x13: {  	[smem:$0x3FB9] =	sst s0;
	s0 =	simm.s32 @!p1 $0x0  }
0x14: {  	s2 =	sld [smem:$0x3F9D];
	s0 =	simm.s32 @p1 $0x1  }
0x15: {  	[smem:$0x3FBA] =	sst s0;
	s0 =	simm.s32 @!p2 $0x0  }
0x16: {  	s3 =	sld [smem:$0x3FDB];
	s0 =	simm.s32 @p2 $0x1  }
0x17: {  	s4 =	simm.s32 $0x1BF5;
	[smem:$0x3FBC] =	sst s0  }
0x18: {  	s0 =	sld [smem:$0x3F9F];
	_ =	swait.ge [sflag:s4], $0x0  }
0x19: {  	s7 =	sld [smem:$0x3FA0]  }
0x1a: {  	s8 =	sadd.s32 $0xFFFFE003, lr  }
0x1b: {  	s9 =	sadd.s32 $0xFFFFFEF7, lr;
	s5 =	simm.s32 $0xFFFFFFFF;
	p2 =	slt.u32 s8, $0xFFFFF086  }
0x1c: {  	p1 =	slt.u32 s9, $0xF7A;
	s5 =	simm.s32 @!p2 $0x0  }
0x1d: {  	s5 =	simm.s32 @p1 $0x1;
	p0 =	seq.s32 s7, s2  }
0x1e: {  	s7 =	smul.u32 @!p0 $0xF7A, s2;
	p2 =	seq.s32 @!p0 s5, $0x0  }
0x1f: {  	s9 =	smul.u32 $0xF7A, s1;
	s8 =	simm.s32 @!p0 $0x1BF5;
	p2 =	por !p2, p0  }
0x20: {  	[sflag:s8] =	ssyncset.s32 @!p0 $0xFFFFF086;
	s6 =	sadd.s32 @!p0 s3, s7;
	s7 =	simm.s32 @!p0 $0x108  }
0x21: {  	s3 =	sadd.s32 s3, s9;
	s6 =	sadd.s32 @!p0 $0x88, s6;
	s7 =	simm.s32 @p2 $0x1082  }
0x22: {  	[simem:s7], [sflag:s8] =	dma.local @!p0 [hbm:s6], $0xF7A  }
0x23: {  	s9 =	sor.u32 $0xD0000000, s2;
	s6 =	simm.s32 $0x108;
	_ =	swait.ge @!p0 [sflag:s8], $0x0  }
0x24: {  	s3 =	sadd.s32 $0x88, s3;
	s6 =	simm.s32 @!p1 $0x1082;
	[sflag:s4] =	ssyncset.s32 $0xFFFFF086  }
0x25: {  	[simem:s6], [sflag:s4] =	dma.local [hbm:s3], $0xF7A  }
0x26: {  	[smem:$0x3FA0] =	sst s1;
	(tag) =	ssettag s2;
	_ =	strace s9  }
0x27: {  	s1 =	sld [smem:$0x3FB0]  }
0x28: {  	s2 =	sld [smem:$0x3FB1]  }
0x29: {  	s4 =	sld [smem:$0x3FB3]  }
0x2a: {  	p0 =	seq.s32 s5, $0x0;
	s5 =	sld [smem:$0x3FB4]  }
0x2b: {  	s6 =	sld [smem:$0x3FB5]  }
0x2c: {  	s7 =	sld [smem:$0x3FB6]  }
0x2d: {  	s3 =	simm.s32 $0x108;
	s8 =	sld [smem:$0x3FB7]  }
0x2e: {  	s3 =	simm.s32 @!p0 $0x1082;
	s9 =	sld [smem:$0x3FB8]  }
0x2f: {  	lr =	sadd.s32 s0, s3;
	s0 =	sld [smem:$0x3FAF]  }
0x30: {  	s3 =	sld [smem:$0x3FB2]  }
0x31: {  	[smem:$0x3FBB] =	sst s10  }
0x32: {  	s10 =	sld [smem:$0x3FB9];
	_ =	sdelay $0x3  }
0x33: {  	p0 =	seq.s32 s10, $0x1;
	s10 =	sld [smem:$0x3FBB];
	_ =	sdelay $0x3  }
0x34: {  	[smem:$0x3FBB] =	sst s10  }
0x35: {  	s10 =	sld [smem:$0x3FBA];
	_ =	sdelay $0x3  }
0x36: {  	p1 =	seq.s32 s10, $0x1;
	s10 =	sld [smem:$0x3FBB];
	_ =	sdelay $0x3  }
0x37: {  	[smem:$0x3FBB] =	sst s10  }
0x38: {  	s10 =	sld [smem:$0x3FBC]  }
0x39: {  	_ = 	snop;
	(pc) =	sbr.ind lr, $3  }
0x3a: {  	_ = 	snop  }
0x3b: {  	_ = 	snop  }
0x3c: {  	p2 =	seq.s32 s10, $0x1;
	s10 =	sld [smem:$0x3FBB]  }
0x3d: {  	_ =	shalt  }
0x3e: {  	_ =	shalt  }
0x3f: {  	_ =	shalt  }
0x40: {  	_ =	shalt  }
0x41: {  	_ =	shalt  }
0x42: {  	_ =	shalt  }
0x43: {  	_ =	shalt  }
0x44: {  	_ =	shalt  }
0x45: {  	_ =	shalt  }
0x46: {  	_ =	shalt  }
0x47: {  	_ =	shalt  }
0x48: {  	_ =	shalt  }
0x49: {  	_ =	shalt  }
0x4a: {  	_ =	shalt  }
0x4b: {  	_ =	shalt  }
0x4c: {  	_ =	shalt  }
0x4d: {  	_ =	shalt  }
0x4e: {  	_ =	shalt  }
0x4f: {  	_ =	shalt  }
0x50: {  	_ =	shalt  }
0x51: {  	_ =	shalt  }
0x52: {  	_ =	shalt  }
0x53: {  	_ =	shalt  }
0x54: {  	_ =	shalt  }
0x55: {  	_ =	shalt  }
0x56: {  	_ =	shalt  }
0x57: {  	_ =	shalt  }
0x58: {  	_ =	shalt  }
0x59: {  	_ =	shalt  }
0x5a: {  	_ =	shalt  }
0x5b: {  	_ =	shalt  }
0x5c: {  	_ =	shalt  }
0x5d: {  	_ =	shalt  }
0x5e: {  	_ =	shalt  }
0x5f: {  	_ =	shalt  }
0x60: {  	_ =	shalt  }
0x61: {  	_ =	shalt  }
0x62: {  	_ =	shalt  }
0x63: {  	_ =	shalt  }
0x64: {  	_ =	shalt  }
0x65: {  	_ =	shalt  }
0x66: {  	_ =	shalt  }
0x67: {  	_ =	shalt  }
0x68: {  	_ =	shalt  }
0x69: {  	_ =	shalt  }
0x6a: {  	_ =	shalt  }
0x6b: {  	_ =	shalt  }
0x6c: {  	_ =	shalt  }
0x6d: {  	_ =	shalt  }
0x6e: {  	_ =	shalt  }
0x6f: {  	_ =	shalt  }
0x70: {  	_ =	shalt  }
0x71: {  	_ =	shalt  }
0x72: {  	_ =	shalt  }
0x73: {  	_ =	shalt  }
0x74: {  	_ =	shalt  }
0x75: {  	_ =	shalt  }
0x76: {  	_ =	shalt  }
0x77: {  	_ =	shalt  }
0x78: {  	_ =	shalt  }
0x79: {  	_ =	shalt  }
0x7a: {  	_ =	shalt  }
0x7b: {  	_ =	shalt  }
0x7c: {  	_ =	shalt  }
0x7d: {  	_ =	shalt  }
0x7e: {  	_ =	shalt  }
0x7f: {  	_ =	shalt  }
0x80: {  	_ =	shalt  }
0x81: {  	_ =	shalt  }
0x82: {  	_ =	shalt  }
0x83: {  	_ =	shalt  }
0x84: {  	_ =	shalt  }
0x85: {  	_ =	shalt  }
0x86: {  	_ =	shalt  }
0x87: {  	_ =	shalt  }
.Lfunc_end0:
.L_simem_size_0:
called_computation_lowered:
.L_overlay_start_0:
0x88: {  	s2 =	sld [smem:$0x3FD9]  }
0x89: {  	s3 =	sld [smem:$0x3FFE];
	_ =	sdelay $0x1  }
0x8a: {  	s1 =	srdreg.scid  }
0x8b: {  	s0 =	sand.u32 $0x1, s1  }
0x8c: {  	s18 =	sshll.u32 s0, $0xA;
	s2 =	sadd.s32 s3, s2  }
0x8d: {  	s2 =	sadd.s32 s2, s18  }
0x8e: {  	[smem:$0x3FC7] =	sst s2  }
0x8f: {  	_ = 	snop  }
0x90: {  	s2 =	sld [smem:$0x3FC9]  }
0x91: {  	s19 =	sld [smem:$0x3FD0];
	(tm) =	ssettm $0x1  }
0x92: {  	s4 =	sld [smem:$0x3FFB];
	_ =	sdelay $0x3  }
0x93: {  	_ =	strace s4  }
0x94: {  	s4 =	sld [smem:$0x3FFC];
	_ =	sdelay $0x3  }
0x95: {  	_ =	strace s4  }
0x96: {  	s4 =	sld [smem:$0x3FFD];
	_ =	sdelay $0x3  }
0x97: {  	_ =	strace s4  }
0x98: {  	_ =	strace $0x8FFFFFFF  }
0x99: {  	s20 =	sld [smem:$0x3FDB];
	_ =	sdelay $0x1  }
0x9a: {  	s5 =	simm.s32 $_scs_section_size  }
0x9b: {  	s6 =	simm.s32 $_size__tile_overlayer_lowered;
	s7 =	simm.s32 $_tile_overlayer_lowered  }
0x9c: {  	s23 =	simm.s32 $0x1BFF;
	s22 =	sshll.u32 s7, $0x1;
	s4 =	sadd.s32 s5, s20  }
0x9d: {  	s8 =	simm.s32 $0x0;
	s21 =	sshll.u32 s6, $0x1;
	s6 =	sadd.s32 s22, s4  }
0x9e: {  	[timem:s8], [sflag:s23] =	dma.local [hbm:s6], s21  }
0x9f: {  	_ =	swait.ge [sflag:s23], s21  }
0xa0: {  	s5 =	ssub.s32 $0x0, s21;
	[sflag:s23] =	ssyncset.done $0x0  }
0xa1: {  	[sflag:s23] =	ssyncadd.s32 s5;
	_ =	sdelay $0x1  }
0xa2: {  	s24 =	simm.s32 $0x1B8B  }
0xa3: {  	_ =	swait.ge [sflag:s24], $0x1  }
0xa4: {  	[sflag:s24] =	ssyncset.done $0x0  }
0xa5: {  	s25 =	simm.s32 $0x1B8E;
	[sflag:s24] =	ssyncadd.s32 $0xFFFFFFFF  }
0xa6: {  	s26 =	simm.s32 $execute0_lowered;
	[smem:$0x3FD2] =	sst s25  }
0xa7: {  	s5 =	sshll.u32 s26, $0x1;
	_ =	strace $0x80000046;
	[dreg:$0x1] =	wrdreg $0xFFFFFFFF  }
0xa8: {  	s28 =	simm.s32 $_size_execute0_lowered;
	s4 =	sadd.s32 s4, s5;
	[dreg:$0x0] =	wrdreg $0x0  }
0xa9: {  	s5 =	sshll.u32 s28, $0x1;
	[dreg:$0x2] =	wrdreg s4  }
0xaa: {  	[dreg:$0x3] =	wrdreg s5  }
0xab: {  	[dreg:$0x4] =	wrdreg $0xC0  }
0xac: {  	_ =	task [dreg:s8], $0x5FFFF  }
0xad: {  	[dreg:$0x1] =	wrdreg $0xFFFFFFFF  }
0xae: {  	[dreg:$0x0] =	wrdreg $0x60  }
0xaf: {  	[dreg:$0x2] =	wrdreg s2  }
0xb0: {  	[dreg:$0x3] =	wrdreg s19  }
0xb1: {  	[dreg:$0x4] =	wrdreg $0x9  }
0xb2: {  	_ =	task.clear_ibuf [dreg:s8], $0x5FFFF;
	_ =	strace $0x90000046  }
0xb3: {  	s29 =	simm.s32 $0x9;
	_ =	strace $0x80000048  }
0xb4: {  	_ =	swait.ge [sflag:s29], $0x1  }
0xb5: {  	[sflag:s29] =	ssyncadd.s32 $0xFFFFFFFF  }
0xb6: {  	_ =	strace $0x90000048  }
0xb7: {  	_ =	sfence  }
0xb8: {  	s30 =	sld [smem:$0x0];
	_ =	sdelay $0x2  }
0xb9: {  	s31 =	sshll.u32 s1, $0xD;
	s1 =	sshrl.u32 s1, $0x2  }
0xba: {  	s3 =	sand.u32 $0x4000, s31;
	s1 =	sadd.s32 s1, s30  }
0xbb: {  	s0 =	sor.u32 s3, s0;
	s1 =	sshll.u32 s1, $0x11  }
0xbc: {  	s0 =	sor.u32 s1, s0  }
0xbd: {  	s0 =	sadd.s32 $0x8F2B, s0  }
0xbe: {  	[sflag:s0] =	ssyncadd.remote.s32 $0x1  }
0xbf: {  	_ =	sfence.sel $0xFFFF  }
0xc0: {  	[dreg:$0x0] =	wrdreg $0xFFFFFFFF;
	(pc) =	sbr.abs _section_cstart, $3  }
0xc1: {  	[dreg:$0x1] =	wrdreg $0xFFFFFFFF  }
0xc2: {  	_ =	task.clear_ibuf [dreg:s8], $0x2FFFF;
	_ =	strace $0x9FFFFFFF  }
0xc3: {  	(tm) =	ssettm $0x7FFFFFFF  }
tec
execute0_lowered:
.L_overlay_start_1:
0x0: {  	(tag) =	ssettag $0x1  }
0x1: {  	s1 =	rddreg [dreg:$0x0]  }
0x2: {  	s0 =	rddreg [dreg:$0x1];
	s4 =	stileid.u32;
	s5 =	simm.s32 $0x0  }
0x3: {  	s2 =	srdreg.scid;
	s29 =	simm.s32 $0x10000;
	s30 =	simm.s32 $0x14000  }
0x4: {  	s31 =	simm.s32 $0x18000;
	s3 =	sshll.u32 s4, $0x1;
	[smem:$0x7FF] =	sst s5  }
0x5: {  	s2 =	sand.u32 $0x1, s2;
	s9 =	sshrl.u32 s4, $0x1;
	s3 =	sand.u32 $0x2, s3  }
0x6: {  	_ =	strace $0x80000047;
	s12 =	sshll.u32 s9, $0x16;
	s10 =	sor.u32 s2, s3  }
0x7: {  	s2 =	ssub.s32 $0x2, s2;
	s11 =	sshll.u32 s10, $0x5;
	s3 =	sshll.u32 s10, $0x14  }
0x8: {  	s16 =	sshrl.u32 s2, $0x1;
	s24 =	sshll.u32 s10, $0x11;
	s3 =	sor.u32 s12, s3  }
0x9: {  	s13 =	sor.u32 $0x8, s11;
	s19 =	ssub.s32 s2, s16;
	s14 =	sor.u32 $0xC, s11  }
0xa: {  	s15 =	sor.u32 $0x10, s11;
	s16 =	sor.u32 $0x14, s11;
	s3 =	sshrl.u32 s3, $0x3  }
0xb: {  	s17 =	sshll.u32 s13, $0xF;
	s20 =	sshll.u32 s14, $0xF;
	s6 =	sshll.u32 s15, $0xF  }
0xc: {  	s8 =	sshll.u32 s16, $0xF;
	s13 =	sshll.u32 s13, $0xC;
	s14 =	sshll.u32 s14, $0xC  }
0xd: {  	s15 =	sshll.u32 s15, $0xC;
	s16 =	sshll.u32 s16, $0xC;
	s19 =	smax.u32 s19, $0x1  }
0xe: {  	s3 =	sadd.s32 s1, s3;
	s18 =	sor.u32 s12, s17;
	s7 =	sor.u32 s12, s6  }
0xf: {  	s8 =	sor.u32 s12, s8;
	s17 =	sor.u32 $0x18, s11;
	s4 =	sadd.s32 $0x4000, s3  }
0x10: {  	s2 =	sshrl.u32 s18, $0x3;
	s21 =	sshrl.u32 s7, $0x3;
	s22 =	sshrl.u32 s8, $0x3  }
0x11: {  	s23 =	sshll.u32 s17, $0xF;
	s18 =	sor.u32 $0x1C, s11;
	s17 =	sshll.u32 s17, $0xC  }
0x12: {  	s5 =	sadd.s32 s1, s2;
	s2 =	sor.u32 s12, s20;
	s7 =	sadd.s32 s1, s21  }
0x13: {  	s8 =	sadd.s32 s1, s22;
	s20 =	sshll.u32 s9, $0x13;
	s25 =	sshll.u32 s18, $0xF  }
0x14: {  	s2 =	sshrl.u32 s2, $0x3;
	s9 =	sor.u32 s20, s24;
	s10 =	sor.u32 s12, s25  }
0x15: {  	s15 =	sor.u32 s20, s15;
	s24 =	sand.u32 $0x70000, s16;
	s25 =	sshll.u32 s18, $0xC  }
0x16: {  	s17 =	sor.u32 s20, s17;
	s6 =	sadd.s32 s1, s2;
	s2 =	sor.u32 s12, s23  }
0x17: {  	s26 =	sshrl.u32 s9, $0x3;
	s28 =	sshrl.u32 s10, $0x3;
	s23 =	sshrl.u32 s15, $0x3  }
0x18: {  	s16 =	sand.u32 $0x78000, s25;
	s25 =	simm.s32 $0x2;
	s2 =	sshrl.u32 s2, $0x3  }
0x19: {  	s10 =	sadd.s32 s0, s26;
	s11 =	sadd.s32 s1, s28;
	s15 =	sadd.s32 s0, s23  }
0x1a: {  	s28 =	sshrl.u32 s17, $0x3;
	s23 =	simm.s32 $0x200;
	s9 =	sadd.s32 s1, s2  }
0x1b: {  	s1 =	sadd.s32 $0x40, s0;
	s2 =	sor.u32 s20, s13;
	s13 =	sand.u32 $0x68000, s14  }
0x1c: {  	s17 =	sadd.s32 s0, s28;
	s12 =	sadd.s32 s26, s1;
	s2 =	sshrl.u32 s2, $0x3  }
0x1d: {  	s21 =	sor.u32 s20, s13;
	s26 =	sor.u32 s20, s16;
	s13 =	sadd.s32 s0, s2  }
0x1e: {  	s22 =	sshrl.u32 s21, $0x3;
	s2 =	sor.u32 s20, s24;
	s18 =	sshrl.u32 s26, $0x3  }
0x1f: {  	s20 =	simm.s32 $0x80;
	s21 =	simm.s32 $0x8000;
	s24 =	simm.s32 $0x400  }
0x20: {  	s0 =	simm.s32 $0x0;
	s14 =	sadd.s32 s22, s1;
	s2 =	sshrl.u32 s2, $0x3  }
0x21: {  	s18 =	sadd.s32 s18, s1;
	s22 =	simm.s32 $0x1;
	s16 =	sadd.s32 s2, s1  }
.LBB2_1:
0x22: {  	s1 =	simm.s32 $0x80  }
0x23: {  	s28 =	sadd.s32 $0x0, s3;
	s2 =	simm.s32 $0x200;
	s26 =	simm.s32 $0x0  }
.LBB2_2:
0x24: {  	[tilespmem:s26], [sflag:$0x1] =	stream.strided.gather [hbm4b:s28+s20], $0x200, s21, s20, $0x38;
	[tilespmem:$0x1C000] =	vst v63  }
0x25: {  	s28 =	smov.u32 s1;
	s26 =	smov.u32 s2;
	p0 =	sne.s32 s1, $0xF80  }
.Ltmp0:
0x26: {  	s1 =	sadd.s32 $0x80, s1;
	(pc) =	sbr.rel @p0 .LBB2_2-.Ltmp0, $2  }
0x27: {  	_ =	sdelay $0x2  }
0x28: {  	s2 =	sadd.s32 $0x200, s2;
	s28 =	sadd.s32 s28, s3  }
0x29: {  	[tilespmem:s26], [sflag:$0x1] =	stream.strided.gather [hbm4b:s28+s20], $0x200, s21, s20, $0x38;
	[tilespmem:$0x1C000] =	vst v63  }
0x2a: {  	s1 =	simm.s32 $0x4000  }
0x2b: {  	s2 =	simm.s32 $0x80;
	s28 =	sadd.s32 $0x0, s4;
	s26 =	simm.s32 $0x4200  }
.LBB2_4:
0x2c: {  	[tilespmem:s1], [sflag:$0x1] =	stream.strided.gather [hbm4b:s28+s20], $0x200, s21, s20, $0x38;
	[tilespmem:$0x1C000] =	vst v63  }
0x2d: {  	s28 =	smov.u32 s2;
	s1 =	smov.u32 s26;
	p0 =	sne.s32 s2, $0xF80  }
.Ltmp1:
0x2e: {  	s2 =	sadd.s32 $0x80, s2;
	(pc) =	sbr.rel @p0 .LBB2_4-.Ltmp1, $2  }
0x2f: {  	_ =	sdelay $0x2  }
0x30: {  	s26 =	sadd.s32 $0x200, s26;
	s28 =	sadd.s32 s28, s4  }
0x31: {  	[tilespmem:s1], [sflag:$0x1] =	stream.strided.gather [hbm4b:s28+s20], $0x200, s21, s20, $0x38;
	[tilespmem:$0x1C000] =	vst v63  }
0x32: {  	s1 =	simm.s32 $0x8000  }
0x33: {  	s2 =	simm.s32 $0x80;
	s28 =	sadd.s32 $0x0, s5;
	s26 =	simm.s32 $0x8200  }
.LBB2_6:
0x34: {  	[tilespmem:s1], [sflag:$0x1] =	stream.strided.gather [hbm4b:s28+s20], $0x200, s21, s20, $0x38;
	[tilespmem:$0x1C000] =	vst v63  }
0x35: {  	s28 =	smov.u32 s2;
	s1 =	smov.u32 s26;
	p0 =	sne.s32 s2, $0xF80  }
.Ltmp2:
0x36: {  	s2 =	sadd.s32 $0x80, s2;
	(pc) =	sbr.rel @p0 .LBB2_6-.Ltmp2, $2  }
0x37: {  	_ =	sdelay $0x2  }
0x38: {  	s26 =	sadd.s32 $0x200, s26;
	s28 =	sadd.s32 s28, s5  }
0x39: {  	[tilespmem:s1], [sflag:$0x1] =	stream.strided.gather [hbm4b:s28+s20], $0x200, s21, s20, $0x38;
	[tilespmem:$0x1C000] =	vst v63  }
0x3a: {  	s1 =	simm.s32 $0xC000  }
0x3b: {  	s2 =	simm.s32 $0x80;
	s28 =	sadd.s32 $0x0, s6;
	s26 =	simm.s32 $0xC200  }
.LBB2_8:
0x3c: {  	[tilespmem:s1], [sflag:$0x1] =	stream.strided.gather [hbm4b:s28+s20], $0x200, s21, s20, $0x38;
	[tilespmem:$0x1C000] =	vst v63  }
0x3d: {  	s28 =	smov.u32 s2;
	s1 =	smov.u32 s26;
	p0 =	sne.s32 s2, $0xF80  }
.Ltmp3:
0x3e: {  	s2 =	sadd.s32 $0x80, s2;
	(pc) =	sbr.rel @p0 .LBB2_8-.Ltmp3, $2  }
0x3f: {  	_ =	sdelay $0x2  }
0x40: {  	s26 =	sadd.s32 $0x200, s26;
	s28 =	sadd.s32 s28, s6  }
0x41: {  	[tilespmem:s1], [sflag:$0x1] =	stream.strided.gather [hbm4b:s28+s20], $0x200, s21, s20, $0x38;
	[tilespmem:$0x1C000] =	vst v63  }
0x42: {  	s1 =	simm.s32 $0x10000  }
0x43: {  	s2 =	simm.s32 $0x80;
	s28 =	sadd.s32 $0x0, s7;
	s26 =	simm.s32 $0x10200  }
.LBB2_10:
0x44: {  	[tilespmem:s1], [sflag:$0x1] =	stream.strided.gather [hbm4b:s28+s20], $0x200, s21, s20, $0x38;
	[tilespmem:$0x1C000] =	vst v63  }
0x45: {  	s28 =	smov.u32 s2;
	s1 =	smov.u32 s26;
	p0 =	sne.s32 s2, $0xF80  }
.Ltmp4:
0x46: {  	s2 =	sadd.s32 $0x80, s2;
	(pc) =	sbr.rel @p0 .LBB2_10-.Ltmp4, $2  }
0x47: {  	_ =	sdelay $0x2  }
0x48: {  	s26 =	sadd.s32 $0x200, s26;
	s28 =	sadd.s32 s28, s7  }
0x49: {  	[tilespmem:s1], [sflag:$0x1] =	stream.strided.gather [hbm4b:s28+s20], $0x200, s21, s20, $0x38;
	[tilespmem:$0x1C000] =	vst v63  }
0x4a: {  	s1 =	simm.s32 $0x14000  }
0x4b: {  	s2 =	simm.s32 $0x80;
	s28 =	sadd.s32 $0x0, s8;
	s26 =	simm.s32 $0x14200  }
.LBB2_12:
0x4c: {  	[tilespmem:s1], [sflag:$0x1] =	stream.strided.gather [hbm4b:s28+s20], $0x200, s21, s20, $0x38;
	[tilespmem:$0x1C000] =	vst v63  }
0x4d: {  	s28 =	smov.u32 s2;
	s1 =	smov.u32 s26;
	p0 =	sne.s32 s2, $0xF80  }
.Ltmp5:
0x4e: {  	s2 =	sadd.s32 $0x80, s2;
	(pc) =	sbr.rel @p0 .LBB2_12-.Ltmp5, $2  }
0x4f: {  	_ =	sdelay $0x2  }
0x50: {  	s26 =	sadd.s32 $0x200, s26;
	s28 =	sadd.s32 s28, s8  }
0x51: {  	[tilespmem:s1], [sflag:$0x1] =	stream.strided.gather [hbm4b:s28+s20], $0x200, s21, s20, $0x38;
	[tilespmem:$0x1C000] =	vst v63  }
0x52: {  	s1 =	simm.s32 $0x18000  }
0x53: {  	s2 =	simm.s32 $0x80;
	s28 =	sadd.s32 $0x0, s9;
	s26 =	simm.s32 $0x18200  }
.LBB2_14:
0x54: {  	[tilespmem:s1], [sflag:$0x1] =	stream.strided.gather [hbm4b:s28+s20], $0x200, s21, s20, $0x38;
	[tilespmem:$0x1C000] =	vst v63  }
0x55: {  	s28 =	smov.u32 s2;
	s1 =	smov.u32 s26;
	p0 =	sne.s32 s2, $0xF80  }
.Ltmp6:
0x56: {  	s2 =	sadd.s32 $0x80, s2;
	(pc) =	sbr.rel @p0 .LBB2_14-.Ltmp6, $2  }
0x57: {  	_ =	sdelay $0x2  }
0x58: {  	s26 =	sadd.s32 $0x200, s26;
	s28 =	sadd.s32 s28, s9  }
0x59: {  	[tilespmem:s1], [sflag:$0x1] =	stream.strided.gather [hbm4b:s28+s20], $0x200, s21, s20, $0x38;
	[tilespmem:$0x1C000] =	vst v63  }
0x5a: {  	_ =	swait.ge [sflag:s22], $0x4000  }
0x5b: {  	[sflag:s22] =	ssyncset.done $0x0  }
0x5c: {  	s1 =	simm.s32 $0x0;
	[sflag:s22] =	ssyncadd.s32 $0xFFFFC000  }
0x5d: {  	[hbm4b:s10+s23] =	stream.strided.scatter [tilespmem:s1], [sflag:$0x2], $0x4000, s24, s23, $0x38;
	[tilespmem:$0x1C000] =	vst v63  }
0x5e: {  	_ =	swait.ge [sflag:s25], $0x4000  }
0x5f: {  	s2 =	simm.s32 $0x80;
	[sflag:s25] =	ssyncset.done $0x0  }
0x60: {  	s28 =	sadd.s32 $0x0, s11;
	s26 =	simm.s32 $0x200;
	[sflag:s25] =	ssyncadd.s32 $0xFFFFC000  }
.LBB2_16:
0x61: {  	[tilespmem:s1], [sflag:$0x1] =	stream.strided.gather [hbm4b:s28+s20], $0x200, s21, s20, $0x38;
	[tilespmem:$0x1C000] =	vst v63  }
0x62: {  	s28 =	smov.u32 s2;
	s1 =	smov.u32 s26;
	p0 =	sne.s32 s2, $0xF80  }
.Ltmp7:
0x63: {  	s2 =	sadd.s32 $0x80, s2;
	(pc) =	sbr.rel @p0 .LBB2_16-.Ltmp7, $2  }
0x64: {  	_ =	sdelay $0x2  }
0x65: {  	s26 =	sadd.s32 $0x200, s26;
	s28 =	sadd.s32 s28, s11  }
0x66: {  	[tilespmem:s1], [sflag:$0x1] =	stream.strided.gather [hbm4b:s28+s20], $0x200, s21, s20, $0x38;
	[tilespmem:$0x1C000] =	vst v63  }
0x67: {  	_ =	swait.ge [sflag:s22], $0x4000  }
0x68: {  	[sflag:s22] =	ssyncset.done $0x0  }
0x69: {  	s2 =	simm.s32 $0x4000;
	[sflag:s22] =	ssyncadd.s32 $0xFFFFC000  }
0x6a: {  	[hbm4b:s12+s23] =	stream.strided.scatter [tilespmem:s2], [sflag:$0x2], $0x4000, s24, s23, $0x38;
	[tilespmem:$0x1C000] =	vst v63  }
0x6b: {  	_ =	swait.ge [sflag:s22], $0x4000  }
0x6c: {  	[sflag:s22] =	ssyncset.done $0x0  }
0x6d: {  	[sflag:s22] =	ssyncadd.s32 $0xFFFFC000  }
0x6e: {  	[hbm4b:s13+s23] =	stream.strided.scatter [tilespmem:s21], [sflag:$0x2], $0x4000, s24, s23, $0x38;
	[tilespmem:$0x1C000] =	vst v63  }
0x6f: {  	_ =	swait.ge [sflag:s22], $0x4000  }
0x70: {  	[sflag:s22] =	ssyncset.done $0x0  }
0x71: {  	s26 =	simm.s32 $0xC000;
	[sflag:s22] =	ssyncadd.s32 $0xFFFFC000  }
0x72: {  	[hbm4b:s14+s23] =	stream.strided.scatter [tilespmem:s26], [sflag:$0x2], $0x4000, s24, s23, $0x38;
	[tilespmem:$0x1C000] =	vst v63  }
0x73: {  	_ =	swait.ge [sflag:s22], $0x4000  }
0x74: {  	[sflag:s22] =	ssyncset.done $0x0  }
0x75: {  	[sflag:s22] =	ssyncadd.s32 $0xFFFFC000  }
0x76: {  	[hbm4b:s15+s23] =	stream.strided.scatter [tilespmem:s29], [sflag:$0x2], $0x4000, s24, s23, $0x38;
	[tilespmem:$0x1C000] =	vst v63  }
0x77: {  	_ =	swait.ge [sflag:s22], $0x4000  }
0x78: {  	[sflag:s22] =	ssyncset.done $0x0  }
0x79: {  	[sflag:s22] =	ssyncadd.s32 $0xFFFFC000  }
0x7a: {  	[hbm4b:s16+s23] =	stream.strided.scatter [tilespmem:s30], [sflag:$0x2], $0x4000, s24, s23, $0x38;
	[tilespmem:$0x1C000] =	vst v63  }
0x7b: {  	_ =	swait.ge [sflag:s22], $0x4000  }
0x7c: {  	[sflag:s22] =	ssyncset.done $0x0  }
0x7d: {  	[sflag:s22] =	ssyncadd.s32 $0xFFFFC000  }
0x7e: {  	[hbm4b:s17+s23] =	stream.strided.scatter [tilespmem:s31], [sflag:$0x2], $0x4000, s24, s23, $0x38;
	[tilespmem:$0x1C000] =	vst v63  }
0x7f: {  	_ =	swait.ge [sflag:s22], $0x4000  }
0x80: {  	[sflag:s22] =	ssyncset.done $0x0  }
0x81: {  	s28 =	simm.s32 $0x0;
	[sflag:s22] =	ssyncadd.s32 $0xFFFFC000  }
0x82: {  	[hbm4b:s18+s23] =	stream.strided.scatter [tilespmem:s28], [sflag:$0x2], $0x4000, s24, s23, $0x38;
	[tilespmem:$0x1C000] =	vst v63  }
0x83: {  	_ =	swait.ge [sflag:s25], $0x4000  }
0x84: {  	[sflag:s25] =	ssyncset.done $0x0  }
0x85: {  	[sflag:s25] =	ssyncadd.s32 $0xFFFFC000  }
0x86: {  	_ =	swait.ge [sflag:s25], $0x4000  }
0x87: {  	[sflag:s25] =	ssyncset.done $0x0  }
0x88: {  	[sflag:s25] =	ssyncadd.s32 $0xFFFFC000  }
0x89: {  	_ =	swait.ge [sflag:s25], $0x4000  }
0x8a: {  	[sflag:s25] =	ssyncset.done $0x0  }
0x8b: {  	[sflag:s25] =	ssyncadd.s32 $0xFFFFC000  }
0x8c: {  	_ =	swait.ge [sflag:s25], $0x4000  }
0x8d: {  	[sflag:s25] =	ssyncset.done $0x0  }
0x8e: {  	[sflag:s25] =	ssyncadd.s32 $0xFFFFC000  }
0x8f: {  	_ =	swait.ge [sflag:s25], $0x4000  }
0x90: {  	[sflag:s25] =	ssyncset.done $0x0  }
0x91: {  	s0 =	sadd.s32 $0x1, s0;
	[sflag:s25] =	ssyncadd.s32 $0xFFFFC000  }
0x92: {  	p0 =	sne.s32 s0, s19;
	_ =	swait.ge [sflag:s25], $0x4000  }
.Ltmp8:
0x93: {  	[sflag:s25] =	ssyncset.done $0x0;
	(pc) =	sbr.rel @p0 .LBB2_1-.Ltmp8, $4  }
0x94: {  	[sflag:s25] =	ssyncadd.s32 $0xFFFFC000  }
0x95: {  	_ =	swait.ge [sflag:s25], $0x4000  }
0x96: {  	[sflag:s25] =	ssyncset.done $0x0  }
0x97: {  	[sflag:s25] =	ssyncadd.s32 $0xFFFFC000  }
0x98: {  	_ =	sfence.sel $0x180000  }
0x99: {  	[bflag:$0x0] =	sbarrier.arrive $0xFFFF  }
0x9a: {  	_ =	strace $0x90000047  }
0x9b: {  	s0 =	stileid.u32;
	[bflag:$0x2] =	sbarrier.arrive $0xFFFF  }
0x9c: {  	p0 =	sne.s32 s0, $0x0;
	s0 =	rddreg [dreg:$0x2]  }
0x9d: {  	s0 =	sadd.s32 @!p0 $0x100000, s0  }
0x9e: {  	[sflag:s0] =	ssyncadd.tile.s32 @!p0 $0x1;
	_ =	shalt  }
.Lfunc_end2:
_tile_overlayer_lowered:
.L_overlay_start_2:
0x9f: {  	(tag) =	ssettag $0x2  }
0xa0: {  	s0 =	rddreg [dreg:$0x0];
	s2 =	stileid.u32  }
0xa1: {  	s1 =	rddreg [dreg:$0x1];
	p0 =	sne.s32 s2, $0x0  }
0xa2: {  	s3 =	rddreg [dreg:$0x2];
	[bflag:$0x3] =	sbarrier.arrive $0xFFFF;
	s2 =	simm.s32 @!p0 $0x1C03  }
0xa3: {  	[timem:s3], [sflag:s2] =	dma.local @!p0 [hbm:s0], s1  }
0xa4: {  	s0 =	simm.s32 @!p0 $0x3  }
0xa5: {  	_ =	swait.ge @!p0 [sflag:s0], s1  }
0xa6: {  	s1 =	ssub.s32 @!p0 $0x0, s1;
	[sflag:s0] =	ssyncset.done @!p0 $0x0  }
0xa7: {  	[sflag:s0] =	ssyncadd.s32 @!p0 s1  }
0xa8: {  	[bflag:$0x3] =	sbarrier.arrive $0xFFFF  }
0xa9: {  	_ =	shalt  }

</sc_bundles>
